<compile_context>
chip_gen: v7x
topology: tpu7x:2x2x1
jax: 0.10.2.dev20260603
libtpu: 0.0.44.dev20260713+nightly
codegen_flags: <defaults>
</compile_context>

<pallas_src>
import functools
import math

import jax
import jax.numpy as jnp
from jax import lax
from jax.experimental import pallas as pl
from jax.experimental.pallas import tpu as pltpu
from jax.experimental.pallas import tpu_sc as plsc




def _corr_body(tlq, d, z1_ref, z2_ref, out_ref):
    q = pl.program_id(1)
    z1b = z1_ref[0]
    z2b = z2_ref[0]
    sim = lax.dot_general(
        z1b, z2b, (((1,), (1,)), ((), ())),
        preferred_element_type=jnp.float32,
    ) * (1.0 / math.sqrt(d))
    lse = jnp.log(jnp.sum(jnp.exp(sim), axis=1, keepdims=True))
    z2d = z2_ref[0, pl.ds(q * tlq, tlq), :]
    diag = jnp.sum(z1b * z2d, axis=1, keepdims=True) * (1.0 / math.sqrt(d))
    out_ref[0] = lse - diag


@functools.lru_cache(maxsize=None)
def _make_corr(b_sz, l_sz, d_sz, tlq=1024):
    grid = (b_sz, l_sz // tlq)
    return pl.pallas_call(
        functools.partial(_corr_body, tlq, d_sz),
        grid=grid,
        in_specs=[
            pl.BlockSpec((1, tlq, d_sz), lambda b, q: (b, q, 0)),
            pl.BlockSpec((1, l_sz, d_sz), lambda b, q: (b, 0, 0)),
        ],
        out_specs=pl.BlockSpec((1, tlq, 1), lambda b, q: (b, q, 0)),
        out_shape=jax.ShapeDtypeStruct((b_sz, l_sz, 1), jnp.float32),
    )




def _topk_scale_body(b_sz, l_sz, topk, corr_hbm, scale_hbm, corr_v, mean_v,
                     scale_v):
    wid = lax.axis_index("s") * 2 + lax.axis_index("c")

    @pl.when(wid == 0)
    def _():
        pltpu.sync_copy(corr_hbm, corr_v)
        nch = l_sz // 16

        def init_body(j, _):
            sl = pl.ds(j * 16, 16)
            acc = jnp.zeros((16,), jnp.float32)
            for i in range(b_sz):
                acc = acc + corr_v[i, sl]
            mean_v[sl] = acc * (1.0 / b_sz)
            return 0

        lax.fori_loop(0, nch, init_body, 0)
        lanes = lax.broadcasted_iota(jnp.int32, (16,), 0)
        neg_inf = jnp.full((16,), -jnp.inf, jnp.float32)

        def _splat(v, op):
            for sh in (1, 2, 4, 8):
                v = op(v, v.at[lanes ^ sh].get(mode="promise_in_bounds"))
            return v

        tops = []
        for _t in range(topk):
            def _masked_chunk(j):
                chunk = mean_v[pl.ds(j * 16, 16)]
                pos = j * 16 + lanes
                for p in tops:
                    chunk = jnp.where(pos == p, neg_inf, chunk)
                return chunk

            def max_body(j, mx):
                return jnp.maximum(mx, _masked_chunk(j))

            mx = lax.fori_loop(0, nch, max_body, neg_inf)
            m = _splat(mx, jnp.maximum)

            def find_body(j, best):
                cand = jnp.where(
                    _masked_chunk(j) == m, j * 16 + lanes, l_sz
                )
                return jnp.minimum(best, cand)

            best = lax.fori_loop(
                0, nch, find_body, jnp.full((16,), l_sz, jnp.int32)
            )
            tops.append(_splat(best, jnp.minimum))

        def scale_body(j, _):
            pos = j * 16 + lanes
            s = jnp.full((16,), 1.0, jnp.float32)
            for p in tops:
                s = jnp.where(pos == p, 1.0 / (p.astype(jnp.float32) + 1.0), s)
            scale_v[pl.ds(j * 16, 16)] = s
            return 0

        lax.fori_loop(0, nch, scale_body, 0)
        pltpu.sync_copy(scale_v, scale_hbm)


@functools.lru_cache(maxsize=None)
def _make_topk_scale(b_sz, l_sz, topk):
    mesh = plsc.VectorSubcoreMesh(core_axis_name="c", subcore_axis_name="s")
    return pl.kernel(
        functools.partial(_topk_scale_body, b_sz, l_sz, topk),
        out_type=jax.ShapeDtypeStruct((l_sz,), jnp.float32),
        mesh=mesh,
        scratch_types=[
            pltpu.VMEM((b_sz, l_sz), jnp.float32),
            pltpu.VMEM((l_sz,), jnp.float32),
            pltpu.VMEM((l_sz,), jnp.float32),
        ],
    )




def _ctx_body(h_sz, e_sz, ch, v_ref, s_ref, out_ref, carry_ref):
    q = pl.program_id(1)
    rows = lax.broadcasted_iota(jnp.int32, (ch, ch), 0)
    cols = lax.broadcasted_iota(jnp.int32, (ch, ch), 1)
    tri = (rows >= cols).astype(jnp.float32)

    @pl.when(q == 0)
    def _():
        carry_ref[...] = jnp.zeros_like(carry_ref)

    x = v_ref[0]
    cs = jnp.dot(tri, x, preferred_element_type=jnp.float32)
    cs = cs + carry_ref[0:1, :]
    carry_ref[0:1, :] = cs[ch - 1:ch, :]
    cs = cs * s_ref[...]
    for h in range(h_sz):
        out_ref[0, h] = cs[:, h * e_sz:(h + 1) * e_sz]


@functools.lru_cache(maxsize=None)
def _make_ctx(b_sz, l_sz, h_sz, e_sz, ch=1024):
    grid = (b_sz, l_sz // ch)
    return pl.pallas_call(
        functools.partial(_ctx_body, h_sz, e_sz, ch),
        grid=grid,
        in_specs=[
            pl.BlockSpec((1, ch, h_sz * e_sz), lambda b, q: (b, q, 0)),
            pl.BlockSpec((ch, 1), lambda b, q: (q, 0)),
        ],
        out_specs=pl.BlockSpec(
            (1, h_sz, ch, e_sz), lambda b, q: (b, 0, q, 0)
        ),
        out_shape=jax.ShapeDtypeStruct((b_sz, h_sz, l_sz, e_sz), jnp.float32),
        scratch_shapes=[pltpu.VMEM((1, h_sz * e_sz), jnp.float32)],
    )




def kernel(queries, keys, values, attn_mask):
    b_sz, l_sz, h_sz, e_sz = queries.shape
    d_sz = h_sz * e_sz
    topk = int(math.log(l_sz))

    z1 = queries.reshape(b_sz, l_sz, d_sz)
    z2 = keys.reshape(b_sz, l_sz, d_sz)

    corr = _make_corr(b_sz, l_sz, d_sz)(z1, z2)
    scale = _make_topk_scale(b_sz, l_sz, topk)(corr.reshape(b_sz, l_sz))
    ctx = _make_ctx(b_sz, l_sz, h_sz, e_sz)(
        values.reshape(b_sz, l_sz, d_sz), scale.reshape(l_sz, 1)
    )
    return ctx

# --- scband reference (transcript-rebuilt; emitter-appended) ---
"""Pipeline reference for scband-auto-correlation-loss-v-19877108646108 (READ-ONLY COPY).

The authoritative reference and input builder live on the scoring server;
editing this copy changes nothing except your own understanding.
"""

import jax, jax.numpy as jnp
import numpy as np
import math


def _hier_corr(z1, z2):
    # hierarchical_contrastive_loss is not defined in the source snippet; it is used here
    # as a per-sample, per-timestep correlation score of shape [B, L]. We implement a
    # TS2Vec-style temporal contrastive term: negative log-softmax of the diagonal of
    # the scaled [B, L, L] similarity matrix between z1 and z2.
    d = z1.shape[-1]
    sim = jnp.matmul(z1, jnp.swapaxes(z2, 1, 2)) / jnp.sqrt(jnp.float32(d))
    logits = jax.nn.log_softmax(sim, axis=-1)
    return -jnp.diagonal(logits, axis1=1, axis2=2)  # [B, L]


def _forward(queries, keys, values, factor=1):
    B, L, H, E = queries.shape
    # L == S here, so the L > S zero-padding branch is not taken
    values = values[:, :L]
    keys = keys[:, :L]
    corr = _hier_corr(queries.reshape(B, L, H * E), keys.reshape(B, L, H * E))  # [B, L]
    top_k = int(factor * math.log(L))
    index = jax.lax.top_k(jnp.mean(corr, axis=0), top_k)[1]  # [top_k]
    corr_top = corr[:, index]  # [B, top_k] == stack([corr[:, index[i]]], -1)
    corr_top = jnp.repeat(corr_top[:, None, :], H, axis=1)  # [B, H, top_k]
    corr_top = jnp.transpose(jnp.repeat(corr_top[:, None, :, :], L, axis=1), (0, 2, 1, 3))  # [B, H, L, top_k]
    index_full = jnp.broadcast_to(index[None, None, :], (B, H, top_k))  # [B, H, top_k]
    v = jnp.transpose(values, (0, 2, 1, 3))  # [B, H, L, D]
    # mask_flag=True -> initial context is causal cumulative sum
    context = jnp.cumsum(v, axis=-2)
    scores = jnp.transpose(corr_top, (0, 1, 3, 2))  # [B, H, top_k, L]
    # ProbMask (Informer): causal triu mask gathered at the selected query rows
    tri = jnp.triu(jnp.ones((L, L), dtype=bool), k=1)
    mask = tri[index_full]  # [B, H, top_k, L]
    scores = jnp.where(mask, -jnp.inf, scores)
    attn = jax.nn.softmax(scores, axis=-1)
    upd = jnp.matmul(attn, v)  # [B, H, top_k, D]
    b_idx = jnp.arange(B)[:, None, None]
    h_idx = jnp.arange(H)[None, :, None]
    context = context.at[b_idx, h_idx, index_full].set(upd)
    return context  # torch module returns (context, None); None dropped


def setup_inputs(seed: int = 0) -> dict:
    key = jax.random.key(seed)
    k1, k2, k3 = jax.random.split(key, 3)
    B, L, H, E = 4, 2048, 16, 64
    queries = jax.random.normal(k1, (B, L, H, E), dtype=jnp.float32)
    keys = jax.random.normal(k2, (B, L, H, E), dtype=jnp.float32)
    values = jax.random.normal(k3, (B, L, H, E), dtype=jnp.float32)
    attn_mask = jnp.zeros((1,), dtype=bool)  # unused: overwritten by ProbMask internally
    return {"queries": queries, "keys": keys, "values": values, "attn_mask": attn_mask}


def reference(queries, keys, values, attn_mask):
    return _forward(queries, keys, values, factor=1)

if __name__ == "__main__":
    import jax
    _d = setup_inputs()
    print(jax.jit(kernel)(*tuple(_d.values())))

</pallas_src>

<mosaic_0001>
#map = affine_map<(d0, d1) -> (0, 0)>
#map1 = affine_map<(d0, d1) -> (0)>
module attributes {stable_mosaic.version = 14 : i64} {
  func.func @_topk_scale_body(%arg0: i32, %arg1: i32, %arg2: memref<4x2048xf32, #tpu.memory_space<hbm>>, %arg3: memref<2048xf32, #tpu.memory_space<hbm>>, %arg4: memref<4x2048xf32, #tpu.memory_space<vmem>>, %arg5: memref<2048xf32, #tpu.memory_space<vmem>>, %arg6: memref<2048xf32, #tpu.memory_space<vmem>>) attributes {dimension_semantics = [#tpu.dimension_semantics<core_parallel>, #tpu.dimension_semantics<subcore_parallel>], iteration_bounds = array<i64: 2, 16>, scalar_prefetch = 0 : i64, scratch_operands = 3 : i64, tpu.core_type = #tpu.core_type<sc_vector_subcore>, window_params = [{transform_indices = #map}, {transform_indices = #map1}]} {
    %mul3A = arith.constant 2 : i32
    %mul3A_0 = arith.muli %arg1, %mul3A : i32
    %add3A = arith.addi %mul3A_0, %arg0 : i32
    %eq3A = arith.constant 0 : i32
    %eq3A_1 = arith.cmpi eq, %add3A, %eq3A : i32
    %convert_element_type3A = arith.extui %eq3A_1 : i1 to i32
    %cond3A = arith.constant 0 : i32
    %cond3A_2 = arith.cmpi ne, %convert_element_type3A, %cond3A : i32
    scf.if %cond3A_2 {
      "tpu.region"() ({
        %run_scoped3A = tpu.sem_alloc : memref<!tpu.dma_semaphore, #tpu.memory_space<semaphore_mem>>
        tpu.enqueue_dma source(%arg2 : memref<4x2048xf32, #tpu.memory_space<hbm>>) target(%arg4 : memref<4x2048xf32, #tpu.memory_space<vmem>>) target_semaphore(%run_scoped3A : memref<!tpu.dma_semaphore, #tpu.memory_space<semaphore_mem>>)
        tpu.wait_dma2 semaphore(%run_scoped3A : memref<!tpu.dma_semaphore, #tpu.memory_space<semaphore_mem>>) src(%arg2 : memref<4x2048xf32, #tpu.memory_space<hbm>>) dst(%arg4 : memref<4x2048xf32, #tpu.memory_space<vmem>>)
        tpu.yield
      }) : () -> ()
      %scan3A = arith.constant 0 : i32
      %scan3A_3 = arith.constant 0 : i32
      %scan3A_4 = arith.constant 128 : i32
      %scan3A_5 = arith.addi %scan3A_3, %scan3A_4 : i32
      %scan3A_6 = arith.constant 1 : i32
      %scan3A_7 = scf.for %scan3A_893 = %scan3A_3 to %scan3A_5 step %scan3A_6 iter_args(%scan3A_894 = %scan3A) -> (i32)  : i32 {
        %mul3A_895 = arith.constant 16 : i32
        %mul3A_896 = arith.muli %scan3A_893, %mul3A_895 : i32
        %broadcast_in_dim3A_897 = arith.constant 0.000000e+00 : f32
        %broadcast_in_dim3A_898 = vector.broadcast %broadcast_in_dim3A_897 : f32 to vector<16xf32>
        %get3A = arith.constant 0 : i32
        %get3A_899 = arith.index_cast %get3A : i32 to index
        %get3A_900 = arith.index_cast %mul3A_896 : i32 to index
        %get3A_901 = tpu.vector_load %arg4[%get3A_899, %get3A_900] {strides = array<i32>} : memref<4x2048xf32, #tpu.memory_space<vmem>>, vector<1x16xf32>,
        %get3A_902 = vector.shape_cast %get3A_901 : vector<1x16xf32> to vector<16xf32>
        %add3A_903 = arith.addf %broadcast_in_dim3A_898, %get3A_902 : vector<16xf32>
        %get3A_904 = arith.constant 1 : i32
        %get3A_905 = arith.index_cast %get3A_904 : i32 to index
        %get3A_906 = arith.index_cast %mul3A_896 : i32 to index
        %get3A_907 = tpu.vector_load %arg4[%get3A_905, %get3A_906] {strides = array<i32>} : memref<4x2048xf32, #tpu.memory_space<vmem>>, vector<1x16xf32>,
        %get3A_908 = vector.shape_cast %get3A_907 : vector<1x16xf32> to vector<16xf32>
        %add3A_909 = arith.addf %add3A_903, %get3A_908 : vector<16xf32>
        %get3A_910 = arith.constant 2 : i32
        %get3A_911 = arith.index_cast %get3A_910 : i32 to index
        %get3A_912 = arith.index_cast %mul3A_896 : i32 to index
        %get3A_913 = tpu.vector_load %arg4[%get3A_911, %get3A_912] {strides = array<i32>} : memref<4x2048xf32, #tpu.memory_space<vmem>>, vector<1x16xf32>,
        %get3A_914 = vector.shape_cast %get3A_913 : vector<1x16xf32> to vector<16xf32>
        %add3A_915 = arith.addf %add3A_909, %get3A_914 : vector<16xf32>
        %get3A_916 = arith.constant 3 : i32
        %get3A_917 = arith.index_cast %get3A_916 : i32 to index
        %get3A_918 = arith.index_cast %mul3A_896 : i32 to index
        %get3A_919 = tpu.vector_load %arg4[%get3A_917, %get3A_918] {strides = array<i32>} : memref<4x2048xf32, #tpu.memory_space<vmem>>, vector<1x16xf32>,
        %get3A_920 = vector.shape_cast %get3A_919 : vector<1x16xf32> to vector<16xf32>
        %add3A_921 = arith.addf %add3A_915, %get3A_920 : vector<16xf32>
        %mul3A_922 = arith.constant 2.500000e-01 : f32
        %mul3A_923 = vector.broadcast %mul3A_922 : f32 to vector<16xf32>
        %mul3A_924 = arith.mulf %add3A_921, %mul3A_923 : vector<16xf32>
        %swap3A = arith.index_cast %mul3A_896 : i32 to index
        %swap3A_925 = tpu.vector_load %arg5[%swap3A] {strides = array<i32>} : memref<2048xf32, #tpu.memory_space<vmem>>, vector<16xf32>,
        %swap3A_926 = vector.shape_cast %swap3A_925 : vector<16xf32> to vector<16xf32>
        %swap3A_927 = vector.shape_cast %mul3A_924 : vector<16xf32> to vector<16xf32>
        tpu.vector_store %arg5[%swap3A], %swap3A_927 {strides = array<i32>} : memref<2048xf32, #tpu.memory_space<vmem>>, vector<16xf32>,
        %scan3A_928 = arith.constant 0 : i32
        scf.yield %scan3A_928 : i32
      }
      %scan3A_8 = arith.constant 128 : i32
      %iota3A = tpu.iota {dimensions = array<i32: 0>} : vector<16xi32>
      %broadcast_in_dim3A = arith.constant 0xFF800000 : f32
      %broadcast_in_dim3A_9 = vector.broadcast %broadcast_in_dim3A : f32 to vector<16xf32>
      %scan3A_10 = arith.constant 0 : i32
      %scan3A_11 = arith.constant 128 : i32
      %scan3A_12 = arith.addi %scan3A_10, %scan3A_11 : i32
      %scan3A_13 = arith.constant 1 : i32
      %scan3A_14 = scf.for %scan3A_893 = %scan3A_10 to %scan3A_12 step %scan3A_13 iter_args(%scan3A_894 = %broadcast_in_dim3A_9) -> (vector<16xf32>)  : i32 {
        %mul3A_895 = arith.constant 16 : i32
        %mul3A_896 = arith.muli %scan3A_893, %mul3A_895 : i32
        %get3A = arith.index_cast %mul3A_896 : i32 to index
        %get3A_897 = tpu.vector_load %arg5[%get3A] {strides = array<i32>} : memref<2048xf32, #tpu.memory_space<vmem>>, vector<16xf32>,
        %get3A_898 = vector.shape_cast %get3A_897 : vector<16xf32> to vector<16xf32>
        %mul3A_899 = arith.constant 16 : i32
        %mul3A_900 = arith.muli %scan3A_893, %mul3A_899 : i32
        %add3A_901 = vector.broadcast %mul3A_900 : i32 to vector<16xi32>
        %add3A_902 = arith.addi %add3A_901, %iota3A : vector<16xi32>
        %max3A_903 = arith.maximumf %scan3A_894, %get3A_898 : vector<16xf32>
        scf.yield %max3A_903 : vector<16xf32>
      }
      %scan3A_15 = arith.constant 128 : i32
      %xor3A = arith.constant 1 : i32
      %xor3A_16 = vector.broadcast %xor3A : i32 to vector<16xi32>
      %xor3A_17 = arith.xori %iota3A, %xor3A_16 : vector<16xi32>
      %lt3A = arith.constant 0 : i32
      %lt3A_18 = vector.broadcast %lt3A : i32 to vector<16xi32>
      %lt3A_19 = arith.cmpi slt, %xor3A_17, %lt3A_18 : vector<16xi32>
      %add3A_20 = arith.constant 16 : i32
      %add3A_21 = vector.broadcast %add3A_20 : i32 to vector<16xi32>
      %add3A_22 = arith.addi %xor3A_17, %add3A_21 : vector<16xi32>
      %select_n3A = arith.select %lt3A_19, %add3A_22, %xor3A_17 : vector<16xi1>, vector<16xi32>
      %broadcast_in_dim3A_23 = vector.shape_cast %select_n3A : vector<16xi32> to vector<16x1xi32>
      %gather3A = vector.shape_cast %broadcast_in_dim3A_23 : vector<16x1xi32> to vector<16xi32>
      %gather3A_24 = tpu.dynamic_gather %scan3A_14[%gather3A] in [0] : vector<16xf32>, vector<16xi32> -> vector<16xf32>
      %max3A = arith.maximumf %scan3A_14, %gather3A_24 : vector<16xf32>
      %xor3A_25 = arith.constant 2 : i32
      %xor3A_26 = vector.broadcast %xor3A_25 : i32 to vector<16xi32>
      %xor3A_27 = arith.xori %iota3A, %xor3A_26 : vector<16xi32>
      %lt3A_28 = arith.constant 0 : i32
      %lt3A_29 = vector.broadcast %lt3A_28 : i32 to vector<16xi32>
      %lt3A_30 = arith.cmpi slt, %xor3A_27, %lt3A_29 : vector<16xi32>
      %add3A_31 = arith.constant 16 : i32
      %add3A_32 = vector.broadcast %add3A_31 : i32 to vector<16xi32>
      %add3A_33 = arith.addi %xor3A_27, %add3A_32 : vector<16xi32>
      %select_n3A_34 = arith.select %lt3A_30, %add3A_33, %xor3A_27 : vector<16xi1>, vector<16xi32>
      %broadcast_in_dim3A_35 = vector.shape_cast %select_n3A_34 : vector<16xi32> to vector<16x1xi32>
      %gather3A_36 = vector.shape_cast %broadcast_in_dim3A_35 : vector<16x1xi32> to vector<16xi32>
      %gather3A_37 = tpu.dynamic_gather %max3A[%gather3A_36] in [0] : vector<16xf32>, vector<16xi32> -> vector<16xf32>
      %max3A_38 = arith.maximumf %max3A, %gather3A_37 : vector<16xf32>
      %xor3A_39 = arith.constant 4 : i32
      %xor3A_40 = vector.broadcast %xor3A_39 : i32 to vector<16xi32>
      %xor3A_41 = arith.xori %iota3A, %xor3A_40 : vector<16xi32>
      %lt3A_42 = arith.constant 0 : i32
      %lt3A_43 = vector.broadcast %lt3A_42 : i32 to vector<16xi32>
      %lt3A_44 = arith.cmpi slt, %xor3A_41, %lt3A_43 : vector<16xi32>
      %add3A_45 = arith.constant 16 : i32
      %add3A_46 = vector.broadcast %add3A_45 : i32 to vector<16xi32>
      %add3A_47 = arith.addi %xor3A_41, %add3A_46 : vector<16xi32>
      %select_n3A_48 = arith.select %lt3A_44, %add3A_47, %xor3A_41 : vector<16xi1>, vector<16xi32>
      %broadcast_in_dim3A_49 = vector.shape_cast %select_n3A_48 : vector<16xi32> to vector<16x1xi32>
      %gather3A_50 = vector.shape_cast %broadcast_in_dim3A_49 : vector<16x1xi32> to vector<16xi32>
      %gather3A_51 = tpu.dynamic_gather %max3A_38[%gather3A_50] in [0] : vector<16xf32>, vector<16xi32> -> vector<16xf32>
      %max3A_52 = arith.maximumf %max3A_38, %gather3A_51 : vector<16xf32>
      %xor3A_53 = arith.constant 8 : i32
      %xor3A_54 = vector.broadcast %xor3A_53 : i32 to vector<16xi32>
      %xor3A_55 = arith.xori %iota3A, %xor3A_54 : vector<16xi32>
      %lt3A_56 = arith.constant 0 : i32
      %lt3A_57 = vector.broadcast %lt3A_56 : i32 to vector<16xi32>
      %lt3A_58 = arith.cmpi slt, %xor3A_55, %lt3A_57 : vector<16xi32>
      %add3A_59 = arith.constant 16 : i32
      %add3A_60 = vector.broadcast %add3A_59 : i32 to vector<16xi32>
      %add3A_61 = arith.addi %xor3A_55, %add3A_60 : vector<16xi32>
      %select_n3A_62 = arith.select %lt3A_58, %add3A_61, %xor3A_55 : vector<16xi1>, vector<16xi32>
      %broadcast_in_dim3A_63 = vector.shape_cast %select_n3A_62 : vector<16xi32> to vector<16x1xi32>
      %gather3A_64 = vector.shape_cast %broadcast_in_dim3A_63 : vector<16x1xi32> to vector<16xi32>
      %gather3A_65 = tpu.dynamic_gather %max3A_52[%gather3A_64] in [0] : vector<16xf32>, vector<16xi32> -> vector<16xf32>
      %max3A_66 = arith.maximumf %max3A_52, %gather3A_65 : vector<16xf32>
      %broadcast_in_dim3A_67 = arith.constant 2048 : i32
      %broadcast_in_dim3A_68 = vector.broadcast %broadcast_in_dim3A_67 : i32 to vector<16xi32>
      %scan3A_69 = arith.constant 0 : i32
      %scan3A_70 = arith.constant 128 : i32
      %scan3A_71 = arith.addi %scan3A_69, %scan3A_70 : i32
      %scan3A_72 = arith.constant 1 : i32
      %scan3A_73 = scf.for %scan3A_893 = %scan3A_69 to %scan3A_71 step %scan3A_72 iter_args(%scan3A_894 = %broadcast_in_dim3A_68) -> (vector<16xi32>)  : i32 {
        %mul3A_895 = arith.constant 16 : i32
        %mul3A_896 = arith.muli %scan3A_893, %mul3A_895 : i32
        %get3A = arith.index_cast %mul3A_896 : i32 to index
        %get3A_897 = tpu.vector_load %arg5[%get3A] {strides = array<i32>} : memref<2048xf32, #tpu.memory_space<vmem>>, vector<16xf32>,
        %get3A_898 = vector.shape_cast %get3A_897 : vector<16xf32> to vector<16xf32>
        %mul3A_899 = arith.constant 16 : i32
        %mul3A_900 = arith.muli %scan3A_893, %mul3A_899 : i32
        %add3A_901 = vector.broadcast %mul3A_900 : i32 to vector<16xi32>
        %add3A_902 = arith.addi %add3A_901, %iota3A : vector<16xi32>
        %eq3A_903 = arith.cmpf oeq, %get3A_898, %max3A_66 : vector<16xf32>
        %mul3A_904 = arith.constant 16 : i32
        %mul3A_905 = arith.muli %scan3A_893, %mul3A_904 : i32
        %add3A_906 = vector.broadcast %mul3A_905 : i32 to vector<16xi32>
        %add3A_907 = arith.addi %add3A_906, %iota3A : vector<16xi32>
        %jit3A = arith.constant 2048 : i32
        %broadcast_in_dim3A_908 = vector.broadcast %jit3A : i32 to vector<16xi32>
        %select_n3A_909 = arith.select %eq3A_903, %add3A_907, %broadcast_in_dim3A_908 : vector<16xi1>, vector<16xi32>
        %min3A_910 = arith.minsi %scan3A_894, %select_n3A_909 : vector<16xi32>
        scf.yield %min3A_910 : vector<16xi32>
      }
      %scan3A_74 = arith.constant 128 : i32
      %xor3A_75 = arith.constant 1 : i32
      %xor3A_76 = vector.broadcast %xor3A_75 : i32 to vector<16xi32>
      %xor3A_77 = arith.xori %iota3A, %xor3A_76 : vector<16xi32>
      %lt3A_78 = arith.constant 0 : i32
      %lt3A_79 = vector.broadcast %lt3A_78 : i32 to vector<16xi32>
      %lt3A_80 = arith.cmpi slt, %xor3A_77, %lt3A_79 : vector<16xi32>
      %add3A_81 = arith.constant 16 : i32
      %add3A_82 = vector.broadcast %add3A_81 : i32 to vector<16xi32>
      %add3A_83 = arith.addi %xor3A_77, %add3A_82 : vector<16xi32>
      %select_n3A_84 = arith.select %lt3A_80, %add3A_83, %xor3A_77 : vector<16xi1>, vector<16xi32>
      %broadcast_in_dim3A_85 = vector.shape_cast %select_n3A_84 : vector<16xi32> to vector<16x1xi32>
      %gather3A_86 = vector.shape_cast %broadcast_in_dim3A_85 : vector<16x1xi32> to vector<16xi32>
      %gather3A_87 = tpu.dynamic_gather %scan3A_73[%gather3A_86] in [0] : vector<16xi32>, vector<16xi32> -> vector<16xi32>
      %min3A = arith.minsi %scan3A_73, %gather3A_87 : vector<16xi32>
      %xor3A_88 = arith.constant 2 : i32
      %xor3A_89 = vector.broadcast %xor3A_88 : i32 to vector<16xi32>
      %xor3A_90 = arith.xori %iota3A, %xor3A_89 : vector<16xi32>
      %lt3A_91 = arith.constant 0 : i32
      %lt3A_92 = vector.broadcast %lt3A_91 : i32 to vector<16xi32>
      %lt3A_93 = arith.cmpi slt, %xor3A_90, %lt3A_92 : vector<16xi32>
      %add3A_94 = arith.constant 16 : i32
      %add3A_95 = vector.broadcast %add3A_94 : i32 to vector<16xi32>
      %add3A_96 = arith.addi %xor3A_90, %add3A_95 : vector<16xi32>
      %select_n3A_97 = arith.select %lt3A_93, %add3A_96, %xor3A_90 : vector<16xi1>, vector<16xi32>
      %broadcast_in_dim3A_98 = vector.shape_cast %select_n3A_97 : vector<16xi32> to vector<16x1xi32>
      %gather3A_99 = vector.shape_cast %broadcast_in_dim3A_98 : vector<16x1xi32> to vector<16xi32>
      %gather3A_100 = tpu.dynamic_gather %min3A[%gather3A_99] in [0] : vector<16xi32>, vector<16xi32> -> vector<16xi32>
      %min3A_101 = arith.minsi %min3A, %gather3A_100 : vector<16xi32>
      %xor3A_102 = arith.constant 4 : i32
      %xor3A_103 = vector.broadcast %xor3A_102 : i32 to vector<16xi32>
      %xor3A_104 = arith.xori %iota3A, %xor3A_103 : vector<16xi32>
      %lt3A_105 = arith.constant 0 : i32
      %lt3A_106 = vector.broadcast %lt3A_105 : i32 to vector<16xi32>
      %lt3A_107 = arith.cmpi slt, %xor3A_104, %lt3A_106 : vector<16xi32>
      %add3A_108 = arith.constant 16 : i32
      %add3A_109 = vector.broadcast %add3A_108 : i32 to vector<16xi32>
      %add3A_110 = arith.addi %xor3A_104, %add3A_109 : vector<16xi32>
      %select_n3A_111 = arith.select %lt3A_107, %add3A_110, %xor3A_104 : vector<16xi1>, vector<16xi32>
      %broadcast_in_dim3A_112 = vector.shape_cast %select_n3A_111 : vector<16xi32> to vector<16x1xi32>
      %gather3A_113 = vector.shape_cast %broadcast_in_dim3A_112 : vector<16x1xi32> to vector<16xi32>
      %gather3A_114 = tpu.dynamic_gather %min3A_101[%gather3A_113] in [0] : vector<16xi32>, vector<16xi32> -> vector<16xi32>
      %min3A_115 = arith.minsi %min3A_101, %gather3A_114 : vector<16xi32>
      %xor3A_116 = arith.constant 8 : i32
      %xor3A_117 = vector.broadcast %xor3A_116 : i32 to vector<16xi32>
      %xor3A_118 = arith.xori %iota3A, %xor3A_117 : vector<16xi32>
      %lt3A_119 = arith.constant 0 : i32
      %lt3A_120 = vector.broadcast %lt3A_119 : i32 to vector<16xi32>
      %lt3A_121 = arith.cmpi slt, %xor3A_118, %lt3A_120 : vector<16xi32>
      %add3A_122 = arith.constant 16 : i32
      %add3A_123 = vector.broadcast %add3A_122 : i32 to vector<16xi32>
      %add3A_124 = arith.addi %xor3A_118, %add3A_123 : vector<16xi32>
      %select_n3A_125 = arith.select %lt3A_121, %add3A_124, %xor3A_118 : vector<16xi1>, vector<16xi32>
      %broadcast_in_dim3A_126 = vector.shape_cast %select_n3A_125 : vector<16xi32> to vector<16x1xi32>
      %gather3A_127 = vector.shape_cast %broadcast_in_dim3A_126 : vector<16x1xi32> to vector<16xi32>
      %gather3A_128 = tpu.dynamic_gather %min3A_115[%gather3A_127] in [0] : vector<16xi32>, vector<16xi32> -> vector<16xi32>
      %min3A_129 = arith.minsi %min3A_115, %gather3A_128 : vector<16xi32>
      %scan3A_130 = arith.constant 0 : i32
      %scan3A_131 = arith.constant 128 : i32
      %scan3A_132 = arith.addi %scan3A_130, %scan3A_131 : i32
      %scan3A_133 = arith.constant 1 : i32
      %scan3A_134 = scf.for %scan3A_893 = %scan3A_130 to %scan3A_132 step %scan3A_133 iter_args(%scan3A_894 = %broadcast_in_dim3A_9) -> (vector<16xf32>)  : i32 {
        %mul3A_895 = arith.constant 16 : i32
        %mul3A_896 = arith.muli %scan3A_893, %mul3A_895 : i32
        %get3A = arith.index_cast %mul3A_896 : i32 to index
        %get3A_897 = tpu.vector_load %arg5[%get3A] {strides = array<i32>} : memref<2048xf32, #tpu.memory_space<vmem>>, vector<16xf32>,
        %get3A_898 = vector.shape_cast %get3A_897 : vector<16xf32> to vector<16xf32>
        %mul3A_899 = arith.constant 16 : i32
        %mul3A_900 = arith.muli %scan3A_893, %mul3A_899 : i32
        %add3A_901 = vector.broadcast %mul3A_900 : i32 to vector<16xi32>
        %add3A_902 = arith.addi %add3A_901, %iota3A : vector<16xi32>
        %eq3A_903 = arith.cmpi eq, %add3A_902, %min3A_129 : vector<16xi32>
        %select_n3A_904 = arith.select %eq3A_903, %broadcast_in_dim3A_9, %get3A_898 : vector<16xi1>, vector<16xf32>
        %max3A_905 = arith.maximumf %scan3A_894, %select_n3A_904 : vector<16xf32>
        scf.yield %max3A_905 : vector<16xf32>
      }
      %scan3A_135 = arith.constant 128 : i32
      %xor3A_136 = arith.constant 1 : i32
      %xor3A_137 = vector.broadcast %xor3A_136 : i32 to vector<16xi32>
      %xor3A_138 = arith.xori %iota3A, %xor3A_137 : vector<16xi32>
      %lt3A_139 = arith.constant 0 : i32
      %lt3A_140 = vector.broadcast %lt3A_139 : i32 to vector<16xi32>
      %lt3A_141 = arith.cmpi slt, %xor3A_138, %lt3A_140 : vector<16xi32>
      %add3A_142 = arith.constant 16 : i32
      %add3A_143 = vector.broadcast %add3A_142 : i32 to vector<16xi32>
      %add3A_144 = arith.addi %xor3A_138, %add3A_143 : vector<16xi32>
      %select_n3A_145 = arith.select %lt3A_141, %add3A_144, %xor3A_138 : vector<16xi1>, vector<16xi32>
      %broadcast_in_dim3A_146 = vector.shape_cast %select_n3A_145 : vector<16xi32> to vector<16x1xi32>
      %gather3A_147 = vector.shape_cast %broadcast_in_dim3A_146 : vector<16x1xi32> to vector<16xi32>
      %gather3A_148 = tpu.dynamic_gather %scan3A_134[%gather3A_147] in [0] : vector<16xf32>, vector<16xi32> -> vector<16xf32>
      %max3A_149 = arith.maximumf %scan3A_134, %gather3A_148 : vector<16xf32>
      %xor3A_150 = arith.constant 2 : i32
      %xor3A_151 = vector.broadcast %xor3A_150 : i32 to vector<16xi32>
      %xor3A_152 = arith.xori %iota3A, %xor3A_151 : vector<16xi32>
      %lt3A_153 = arith.constant 0 : i32
      %lt3A_154 = vector.broadcast %lt3A_153 : i32 to vector<16xi32>
      %lt3A_155 = arith.cmpi slt, %xor3A_152, %lt3A_154 : vector<16xi32>
      %add3A_156 = arith.constant 16 : i32
      %add3A_157 = vector.broadcast %add3A_156 : i32 to vector<16xi32>
      %add3A_158 = arith.addi %xor3A_152, %add3A_157 : vector<16xi32>
      %select_n3A_159 = arith.select %lt3A_155, %add3A_158, %xor3A_152 : vector<16xi1>, vector<16xi32>
      %broadcast_in_dim3A_160 = vector.shape_cast %select_n3A_159 : vector<16xi32> to vector<16x1xi32>
      %gather3A_161 = vector.shape_cast %broadcast_in_dim3A_160 : vector<16x1xi32> to vector<16xi32>
      %gather3A_162 = tpu.dynamic_gather %max3A_149[%gather3A_161] in [0] : vector<16xf32>, vector<16xi32> -> vector<16xf32>
      %max3A_163 = arith.maximumf %max3A_149, %gather3A_162 : vector<16xf32>
      %xor3A_164 = arith.constant 4 : i32
      %xor3A_165 = vector.broadcast %xor3A_164 : i32 to vector<16xi32>
      %xor3A_166 = arith.xori %iota3A, %xor3A_165 : vector<16xi32>
      %lt3A_167 = arith.constant 0 : i32
      %lt3A_168 = vector.broadcast %lt3A_167 : i32 to vector<16xi32>
      %lt3A_169 = arith.cmpi slt, %xor3A_166, %lt3A_168 : vector<16xi32>
      %add3A_170 = arith.constant 16 : i32
      %add3A_171 = vector.broadcast %add3A_170 : i32 to vector<16xi32>
      %add3A_172 = arith.addi %xor3A_166, %add3A_171 : vector<16xi32>
      %select_n3A_173 = arith.select %lt3A_169, %add3A_172, %xor3A_166 : vector<16xi1>, vector<16xi32>
      %broadcast_in_dim3A_174 = vector.shape_cast %select_n3A_173 : vector<16xi32> to vector<16x1xi32>
      %gather3A_175 = vector.shape_cast %broadcast_in_dim3A_174 : vector<16x1xi32> to vector<16xi32>
      %gather3A_176 = tpu.dynamic_gather %max3A_163[%gather3A_175] in [0] : vector<16xf32>, vector<16xi32> -> vector<16xf32>
      %max3A_177 = arith.maximumf %max3A_163, %gather3A_176 : vector<16xf32>
      %xor3A_178 = arith.constant 8 : i32
      %xor3A_179 = vector.broadcast %xor3A_178 : i32 to vector<16xi32>
      %xor3A_180 = arith.xori %iota3A, %xor3A_179 : vector<16xi32>
      %lt3A_181 = arith.constant 0 : i32
      %lt3A_182 = vector.broadcast %lt3A_181 : i32 to vector<16xi32>
      %lt3A_183 = arith.cmpi slt, %xor3A_180, %lt3A_182 : vector<16xi32>
      %add3A_184 = arith.constant 16 : i32
      %add3A_185 = vector.broadcast %add3A_184 : i32 to vector<16xi32>
      %add3A_186 = arith.addi %xor3A_180, %add3A_185 : vector<16xi32>
      %select_n3A_187 = arith.select %lt3A_183, %add3A_186, %xor3A_180 : vector<16xi1>, vector<16xi32>
      %broadcast_in_dim3A_188 = vector.shape_cast %select_n3A_187 : vector<16xi32> to vector<16x1xi32>
      %gather3A_189 = vector.shape_cast %broadcast_in_dim3A_188 : vector<16x1xi32> to vector<16xi32>
      %gather3A_190 = tpu.dynamic_gather %max3A_177[%gather3A_189] in [0] : vector<16xf32>, vector<16xi32> -> vector<16xf32>
      %max3A_191 = arith.maximumf %max3A_177, %gather3A_190 : vector<16xf32>
      %broadcast_in_dim3A_192 = arith.constant 2048 : i32
      %broadcast_in_dim3A_193 = vector.broadcast %broadcast_in_dim3A_192 : i32 to vector<16xi32>
      %scan3A_194 = arith.constant 0 : i32
      %scan3A_195 = arith.constant 128 : i32
      %scan3A_196 = arith.addi %scan3A_194, %scan3A_195 : i32
      %scan3A_197 = arith.constant 1 : i32
      %scan3A_198 = scf.for %scan3A_893 = %scan3A_194 to %scan3A_196 step %scan3A_197 iter_args(%scan3A_894 = %broadcast_in_dim3A_193) -> (vector<16xi32>)  : i32 {
        %mul3A_895 = arith.constant 16 : i32
        %mul3A_896 = arith.muli %scan3A_893, %mul3A_895 : i32
        %get3A = arith.index_cast %mul3A_896 : i32 to index
        %get3A_897 = tpu.vector_load %arg5[%get3A] {strides = array<i32>} : memref<2048xf32, #tpu.memory_space<vmem>>, vector<16xf32>,
        %get3A_898 = vector.shape_cast %get3A_897 : vector<16xf32> to vector<16xf32>
        %mul3A_899 = arith.constant 16 : i32
        %mul3A_900 = arith.muli %scan3A_893, %mul3A_899 : i32
        %add3A_901 = vector.broadcast %mul3A_900 : i32 to vector<16xi32>
        %add3A_902 = arith.addi %add3A_901, %iota3A : vector<16xi32>
        %eq3A_903 = arith.cmpi eq, %add3A_902, %min3A_129 : vector<16xi32>
        %select_n3A_904 = arith.select %eq3A_903, %broadcast_in_dim3A_9, %get3A_898 : vector<16xi1>, vector<16xf32>
        %eq3A_905 = arith.cmpf oeq, %select_n3A_904, %max3A_191 : vector<16xf32>
        %mul3A_906 = arith.constant 16 : i32
        %mul3A_907 = arith.muli %scan3A_893, %mul3A_906 : i32
        %add3A_908 = vector.broadcast %mul3A_907 : i32 to vector<16xi32>
        %add3A_909 = arith.addi %add3A_908, %iota3A : vector<16xi32>
        %jit3A = arith.constant 2048 : i32
        %broadcast_in_dim3A_910 = vector.broadcast %jit3A : i32 to vector<16xi32>
        %select_n3A_911 = arith.select %eq3A_905, %add3A_909, %broadcast_in_dim3A_910 : vector<16xi1>, vector<16xi32>
        %min3A_912 = arith.minsi %scan3A_894, %select_n3A_911 : vector<16xi32>
        scf.yield %min3A_912 : vector<16xi32>
      }
      %scan3A_199 = arith.constant 128 : i32
      %xor3A_200 = arith.constant 1 : i32
      %xor3A_201 = vector.broadcast %xor3A_200 : i32 to vector<16xi32>
      %xor3A_202 = arith.xori %iota3A, %xor3A_201 : vector<16xi32>
      %lt3A_203 = arith.constant 0 : i32
      %lt3A_204 = vector.broadcast %lt3A_203 : i32 to vector<16xi32>
      %lt3A_205 = arith.cmpi slt, %xor3A_202, %lt3A_204 : vector<16xi32>
      %add3A_206 = arith.constant 16 : i32
      %add3A_207 = vector.broadcast %add3A_206 : i32 to vector<16xi32>
      %add3A_208 = arith.addi %xor3A_202, %add3A_207 : vector<16xi32>
      %select_n3A_209 = arith.select %lt3A_205, %add3A_208, %xor3A_202 : vector<16xi1>, vector<16xi32>
      %broadcast_in_dim3A_210 = vector.shape_cast %select_n3A_209 : vector<16xi32> to vector<16x1xi32>
      %gather3A_211 = vector.shape_cast %broadcast_in_dim3A_210 : vector<16x1xi32> to vector<16xi32>
      %gather3A_212 = tpu.dynamic_gather %scan3A_198[%gather3A_211] in [0] : vector<16xi32>, vector<16xi32> -> vector<16xi32>
      %min3A_213 = arith.minsi %scan3A_198, %gather3A_212 : vector<16xi32>
      %xor3A_214 = arith.constant 2 : i32
      %xor3A_215 = vector.broadcast %xor3A_214 : i32 to vector<16xi32>
      %xor3A_216 = arith.xori %iota3A, %xor3A_215 : vector<16xi32>
      %lt3A_217 = arith.constant 0 : i32
      %lt3A_218 = vector.broadcast %lt3A_217 : i32 to vector<16xi32>
      %lt3A_219 = arith.cmpi slt, %xor3A_216, %lt3A_218 : vector<16xi32>
      %add3A_220 = arith.constant 16 : i32
      %add3A_221 = vector.broadcast %add3A_220 : i32 to vector<16xi32>
      %add3A_222 = arith.addi %xor3A_216, %add3A_221 : vector<16xi32>
      %select_n3A_223 = arith.select %lt3A_219, %add3A_222, %xor3A_216 : vector<16xi1>, vector<16xi32>
      %broadcast_in_dim3A_224 = vector.shape_cast %select_n3A_223 : vector<16xi32> to vector<16x1xi32>
      %gather3A_225 = vector.shape_cast %broadcast_in_dim3A_224 : vector<16x1xi32> to vector<16xi32>
      %gather3A_226 = tpu.dynamic_gather %min3A_213[%gather3A_225] in [0] : vector<16xi32>, vector<16xi32> -> vector<16xi32>
      %min3A_227 = arith.minsi %min3A_213, %gather3A_226 : vector<16xi32>
      %xor3A_228 = arith.constant 4 : i32
      %xor3A_229 = vector.broadcast %xor3A_228 : i32 to vector<16xi32>
      %xor3A_230 = arith.xori %iota3A, %xor3A_229 : vector<16xi32>
      %lt3A_231 = arith.constant 0 : i32
      %lt3A_232 = vector.broadcast %lt3A_231 : i32 to vector<16xi32>
      %lt3A_233 = arith.cmpi slt, %xor3A_230, %lt3A_232 : vector<16xi32>
      %add3A_234 = arith.constant 16 : i32
      %add3A_235 = vector.broadcast %add3A_234 : i32 to vector<16xi32>
      %add3A_236 = arith.addi %xor3A_230, %add3A_235 : vector<16xi32>
      %select_n3A_237 = arith.select %lt3A_233, %add3A_236, %xor3A_230 : vector<16xi1>, vector<16xi32>
      %broadcast_in_dim3A_238 = vector.shape_cast %select_n3A_237 : vector<16xi32> to vector<16x1xi32>
      %gather3A_239 = vector.shape_cast %broadcast_in_dim3A_238 : vector<16x1xi32> to vector<16xi32>
      %gather3A_240 = tpu.dynamic_gather %min3A_227[%gather3A_239] in [0] : vector<16xi32>, vector<16xi32> -> vector<16xi32>
      %min3A_241 = arith.minsi %min3A_227, %gather3A_240 : vector<16xi32>
      %xor3A_242 = arith.constant 8 : i32
      %xor3A_243 = vector.broadcast %xor3A_242 : i32 to vector<16xi32>
      %xor3A_244 = arith.xori %iota3A, %xor3A_243 : vector<16xi32>
      %lt3A_245 = arith.constant 0 : i32
      %lt3A_246 = vector.broadcast %lt3A_245 : i32 to vector<16xi32>
      %lt3A_247 = arith.cmpi slt, %xor3A_244, %lt3A_246 : vector<16xi32>
      %add3A_248 = arith.constant 16 : i32
      %add3A_249 = vector.broadcast %add3A_248 : i32 to vector<16xi32>
      %add3A_250 = arith.addi %xor3A_244, %add3A_249 : vector<16xi32>
      %select_n3A_251 = arith.select %lt3A_247, %add3A_250, %xor3A_244 : vector<16xi1>, vector<16xi32>
      %broadcast_in_dim3A_252 = vector.shape_cast %select_n3A_251 : vector<16xi32> to vector<16x1xi32>
      %gather3A_253 = vector.shape_cast %broadcast_in_dim3A_252 : vector<16x1xi32> to vector<16xi32>
      %gather3A_254 = tpu.dynamic_gather %min3A_241[%gather3A_253] in [0] : vector<16xi32>, vector<16xi32> -> vector<16xi32>
      %min3A_255 = arith.minsi %min3A_241, %gather3A_254 : vector<16xi32>
      %scan3A_256 = arith.constant 0 : i32
      %scan3A_257 = arith.constant 128 : i32
      %scan3A_258 = arith.addi %scan3A_256, %scan3A_257 : i32
      %scan3A_259 = arith.constant 1 : i32
      %scan3A_260 = scf.for %scan3A_893 = %scan3A_256 to %scan3A_258 step %scan3A_259 iter_args(%scan3A_894 = %broadcast_in_dim3A_9) -> (vector<16xf32>)  : i32 {
        %mul3A_895 = arith.constant 16 : i32
        %mul3A_896 = arith.muli %scan3A_893, %mul3A_895 : i32
        %get3A = arith.index_cast %mul3A_896 : i32 to index
        %get3A_897 = tpu.vector_load %arg5[%get3A] {strides = array<i32>} : memref<2048xf32, #tpu.memory_space<vmem>>, vector<16xf32>,
        %get3A_898 = vector.shape_cast %get3A_897 : vector<16xf32> to vector<16xf32>
        %mul3A_899 = arith.constant 16 : i32
        %mul3A_900 = arith.muli %scan3A_893, %mul3A_899 : i32
        %add3A_901 = vector.broadcast %mul3A_900 : i32 to vector<16xi32>
        %add3A_902 = arith.addi %add3A_901, %iota3A : vector<16xi32>
        %eq3A_903 = arith.cmpi eq, %add3A_902, %min3A_129 : vector<16xi32>
        %select_n3A_904 = arith.select %eq3A_903, %broadcast_in_dim3A_9, %get3A_898 : vector<16xi1>, vector<16xf32>
        %eq3A_905 = arith.cmpi eq, %add3A_902, %min3A_255 : vector<16xi32>
        %select_n3A_906 = arith.select %eq3A_905, %broadcast_in_dim3A_9, %select_n3A_904 : vector<16xi1>, vector<16xf32>
        %max3A_907 = arith.maximumf %scan3A_894, %select_n3A_906 : vector<16xf32>
        scf.yield %max3A_907 : vector<16xf32>
      }
      %scan3A_261 = arith.constant 128 : i32
      %xor3A_262 = arith.constant 1 : i32
      %xor3A_263 = vector.broadcast %xor3A_262 : i32 to vector<16xi32>
      %xor3A_264 = arith.xori %iota3A, %xor3A_263 : vector<16xi32>
      %lt3A_265 = arith.constant 0 : i32
      %lt3A_266 = vector.broadcast %lt3A_265 : i32 to vector<16xi32>
      %lt3A_267 = arith.cmpi slt, %xor3A_264, %lt3A_266 : vector<16xi32>
      %add3A_268 = arith.constant 16 : i32
      %add3A_269 = vector.broadcast %add3A_268 : i32 to vector<16xi32>
      %add3A_270 = arith.addi %xor3A_264, %add3A_269 : vector<16xi32>
      %select_n3A_271 = arith.select %lt3A_267, %add3A_270, %xor3A_264 : vector<16xi1>, vector<16xi32>
      %broadcast_in_dim3A_272 = vector.shape_cast %select_n3A_271 : vector<16xi32> to vector<16x1xi32>
      %gather3A_273 = vector.shape_cast %broadcast_in_dim3A_272 : vector<16x1xi32> to vector<16xi32>
      %gather3A_274 = tpu.dynamic_gather %scan3A_260[%gather3A_273] in [0] : vector<16xf32>, vector<16xi32> -> vector<16xf32>
      %max3A_275 = arith.maximumf %scan3A_260, %gather3A_274 : vector<16xf32>
      %xor3A_276 = arith.constant 2 : i32
      %xor3A_277 = vector.broadcast %xor3A_276 : i32 to vector<16xi32>
      %xor3A_278 = arith.xori %iota3A, %xor3A_277 : vector<16xi32>
      %lt3A_279 = arith.constant 0 : i32
      %lt3A_280 = vector.broadcast %lt3A_279 : i32 to vector<16xi32>
      %lt3A_281 = arith.cmpi slt, %xor3A_278, %lt3A_280 : vector<16xi32>
      %add3A_282 = arith.constant 16 : i32
      %add3A_283 = vector.broadcast %add3A_282 : i32 to vector<16xi32>
      %add3A_284 = arith.addi %xor3A_278, %add3A_283 : vector<16xi32>
      %select_n3A_285 = arith.select %lt3A_281, %add3A_284, %xor3A_278 : vector<16xi1>, vector<16xi32>
      %broadcast_in_dim3A_286 = vector.shape_cast %select_n3A_285 : vector<16xi32> to vector<16x1xi32>
      %gather3A_287 = vector.shape_cast %broadcast_in_dim3A_286 : vector<16x1xi32> to vector<16xi32>
      %gather3A_288 = tpu.dynamic_gather %max3A_275[%gather3A_287] in [0] : vector<16xf32>, vector<16xi32> -> vector<16xf32>
      %max3A_289 = arith.maximumf %max3A_275, %gather3A_288 : vector<16xf32>
      %xor3A_290 = arith.constant 4 : i32
      %xor3A_291 = vector.broadcast %xor3A_290 : i32 to vector<16xi32>
      %xor3A_292 = arith.xori %iota3A, %xor3A_291 : vector<16xi32>
      %lt3A_293 = arith.constant 0 : i32
      %lt3A_294 = vector.broadcast %lt3A_293 : i32 to vector<16xi32>
      %lt3A_295 = arith.cmpi slt, %xor3A_292, %lt3A_294 : vector<16xi32>
      %add3A_296 = arith.constant 16 : i32
      %add3A_297 = vector.broadcast %add3A_296 : i32 to vector<16xi32>
      %add3A_298 = arith.addi %xor3A_292, %add3A_297 : vector<16xi32>
      %select_n3A_299 = arith.select %lt3A_295, %add3A_298, %xor3A_292 : vector<16xi1>, vector<16xi32>
      %broadcast_in_dim3A_300 = vector.shape_cast %select_n3A_299 : vector<16xi32> to vector<16x1xi32>
      %gather3A_301 = vector.shape_cast %broadcast_in_dim3A_300 : vector<16x1xi32> to vector<16xi32>
      %gather3A_302 = tpu.dynamic_gather %max3A_289[%gather3A_301] in [0] : vector<16xf32>, vector<16xi32> -> vector<16xf32>
      %max3A_303 = arith.maximumf %max3A_289, %gather3A_302 : vector<16xf32>
      %xor3A_304 = arith.constant 8 : i32
      %xor3A_305 = vector.broadcast %xor3A_304 : i32 to vector<16xi32>
      %xor3A_306 = arith.xori %iota3A, %xor3A_305 : vector<16xi32>
      %lt3A_307 = arith.constant 0 : i32
      %lt3A_308 = vector.broadcast %lt3A_307 : i32 to vector<16xi32>
      %lt3A_309 = arith.cmpi slt, %xor3A_306, %lt3A_308 : vector<16xi32>
      %add3A_310 = arith.constant 16 : i32
      %add3A_311 = vector.broadcast %add3A_310 : i32 to vector<16xi32>
      %add3A_312 = arith.addi %xor3A_306, %add3A_311 : vector<16xi32>
      %select_n3A_313 = arith.select %lt3A_309, %add3A_312, %xor3A_306 : vector<16xi1>, vector<16xi32>
      %broadcast_in_dim3A_314 = vector.shape_cast %select_n3A_313 : vector<16xi32> to vector<16x1xi32>
      %gather3A_315 = vector.shape_cast %broadcast_in_dim3A_314 : vector<16x1xi32> to vector<16xi32>
      %gather3A_316 = tpu.dynamic_gather %max3A_303[%gather3A_315] in [0] : vector<16xf32>, vector<16xi32> -> vector<16xf32>
      %max3A_317 = arith.maximumf %max3A_303, %gather3A_316 : vector<16xf32>
      %broadcast_in_dim3A_318 = arith.constant 2048 : i32
      %broadcast_in_dim3A_319 = vector.broadcast %broadcast_in_dim3A_318 : i32 to vector<16xi32>
      %scan3A_320 = arith.constant 0 : i32
      %scan3A_321 = arith.constant 128 : i32
      %scan3A_322 = arith.addi %scan3A_320, %scan3A_321 : i32
      %scan3A_323 = arith.constant 1 : i32
      %scan3A_324 = scf.for %scan3A_893 = %scan3A_320 to %scan3A_322 step %scan3A_323 iter_args(%scan3A_894 = %broadcast_in_dim3A_319) -> (vector<16xi32>)  : i32 {
        %mul3A_895 = arith.constant 16 : i32
        %mul3A_896 = arith.muli %scan3A_893, %mul3A_895 : i32
        %get3A = arith.index_cast %mul3A_896 : i32 to index
        %get3A_897 = tpu.vector_load %arg5[%get3A] {strides = array<i32>} : memref<2048xf32, #tpu.memory_space<vmem>>, vector<16xf32>,
        %get3A_898 = vector.shape_cast %get3A_897 : vector<16xf32> to vector<16xf32>
        %mul3A_899 = arith.constant 16 : i32
        %mul3A_900 = arith.muli %scan3A_893, %mul3A_899 : i32
        %add3A_901 = vector.broadcast %mul3A_900 : i32 to vector<16xi32>
        %add3A_902 = arith.addi %add3A_901, %iota3A : vector<16xi32>
        %eq3A_903 = arith.cmpi eq, %add3A_902, %min3A_129 : vector<16xi32>
        %select_n3A_904 = arith.select %eq3A_903, %broadcast_in_dim3A_9, %get3A_898 : vector<16xi1>, vector<16xf32>
        %eq3A_905 = arith.cmpi eq, %add3A_902, %min3A_255 : vector<16xi32>
        %select_n3A_906 = arith.select %eq3A_905, %broadcast_in_dim3A_9, %select_n3A_904 : vector<16xi1>, vector<16xf32>
        %eq3A_907 = arith.cmpf oeq, %select_n3A_906, %max3A_317 : vector<16xf32>
        %mul3A_908 = arith.constant 16 : i32
        %mul3A_909 = arith.muli %scan3A_893, %mul3A_908 : i32
        %add3A_910 = vector.broadcast %mul3A_909 : i32 to vector<16xi32>
        %add3A_911 = arith.addi %add3A_910, %iota3A : vector<16xi32>
        %jit3A = arith.constant 2048 : i32
        %broadcast_in_dim3A_912 = vector.broadcast %jit3A : i32 to vector<16xi32>
        %select_n3A_913 = arith.select %eq3A_907, %add3A_911, %broadcast_in_dim3A_912 : vector<16xi1>, vector<16xi32>
        %min3A_914 = arith.minsi %scan3A_894, %select_n3A_913 : vector<16xi32>
        scf.yield %min3A_914 : vector<16xi32>
      }
      %scan3A_325 = arith.constant 128 : i32
      %xor3A_326 = arith.constant 1 : i32
      %xor3A_327 = vector.broadcast %xor3A_326 : i32 to vector<16xi32>
      %xor3A_328 = arith.xori %iota3A, %xor3A_327 : vector<16xi32>
      %lt3A_329 = arith.constant 0 : i32
      %lt3A_330 = vector.broadcast %lt3A_329 : i32 to vector<16xi32>
      %lt3A_331 = arith.cmpi slt, %xor3A_328, %lt3A_330 : vector<16xi32>
      %add3A_332 = arith.constant 16 : i32
      %add3A_333 = vector.broadcast %add3A_332 : i32 to vector<16xi32>
      %add3A_334 = arith.addi %xor3A_328, %add3A_333 : vector<16xi32>
      %select_n3A_335 = arith.select %lt3A_331, %add3A_334, %xor3A_328 : vector<16xi1>, vector<16xi32>
      %broadcast_in_dim3A_336 = vector.shape_cast %select_n3A_335 : vector<16xi32> to vector<16x1xi32>
      %gather3A_337 = vector.shape_cast %broadcast_in_dim3A_336 : vector<16x1xi32> to vector<16xi32>
      %gather3A_338 = tpu.dynamic_gather %scan3A_324[%gather3A_337] in [0] : vector<16xi32>, vector<16xi32> -> vector<16xi32>
      %min3A_339 = arith.minsi %scan3A_324, %gather3A_338 : vector<16xi32>
      %xor3A_340 = arith.constant 2 : i32
      %xor3A_341 = vector.broadcast %xor3A_340 : i32 to vector<16xi32>
      %xor3A_342 = arith.xori %iota3A, %xor3A_341 : vector<16xi32>
      %lt3A_343 = arith.constant 0 : i32
      %lt3A_344 = vector.broadcast %lt3A_343 : i32 to vector<16xi32>
      %lt3A_345 = arith.cmpi slt, %xor3A_342, %lt3A_344 : vector<16xi32>
      %add3A_346 = arith.constant 16 : i32
      %add3A_347 = vector.broadcast %add3A_346 : i32 to vector<16xi32>
      %add3A_348 = arith.addi %xor3A_342, %add3A_347 : vector<16xi32>
      %select_n3A_349 = arith.select %lt3A_345, %add3A_348, %xor3A_342 : vector<16xi1>, vector<16xi32>
      %broadcast_in_dim3A_350 = vector.shape_cast %select_n3A_349 : vector<16xi32> to vector<16x1xi32>
      %gather3A_351 = vector.shape_cast %broadcast_in_dim3A_350 : vector<16x1xi32> to vector<16xi32>
      %gather3A_352 = tpu.dynamic_gather %min3A_339[%gather3A_351] in [0] : vector<16xi32>, vector<16xi32> -> vector<16xi32>
      %min3A_353 = arith.minsi %min3A_339, %gather3A_352 : vector<16xi32>
      %xor3A_354 = arith.constant 4 : i32
      %xor3A_355 = vector.broadcast %xor3A_354 : i32 to vector<16xi32>
      %xor3A_356 = arith.xori %iota3A, %xor3A_355 : vector<16xi32>
      %lt3A_357 = arith.constant 0 : i32
      %lt3A_358 = vector.broadcast %lt3A_357 : i32 to vector<16xi32>
      %lt3A_359 = arith.cmpi slt, %xor3A_356, %lt3A_358 : vector<16xi32>
      %add3A_360 = arith.constant 16 : i32
      %add3A_361 = vector.broadcast %add3A_360 : i32 to vector<16xi32>
      %add3A_362 = arith.addi %xor3A_356, %add3A_361 : vector<16xi32>
      %select_n3A_363 = arith.select %lt3A_359, %add3A_362, %xor3A_356 : vector<16xi1>, vector<16xi32>
      %broadcast_in_dim3A_364 = vector.shape_cast %select_n3A_363 : vector<16xi32> to vector<16x1xi32>
      %gather3A_365 = vector.shape_cast %broadcast_in_dim3A_364 : vector<16x1xi32> to vector<16xi32>
      %gather3A_366 = tpu.dynamic_gather %min3A_353[%gather3A_365] in [0] : vector<16xi32>, vector<16xi32> -> vector<16xi32>
      %min3A_367 = arith.minsi %min3A_353, %gather3A_366 : vector<16xi32>
      %xor3A_368 = arith.constant 8 : i32
      %xor3A_369 = vector.broadcast %xor3A_368 : i32 to vector<16xi32>
      %xor3A_370 = arith.xori %iota3A, %xor3A_369 : vector<16xi32>
      %lt3A_371 = arith.constant 0 : i32
      %lt3A_372 = vector.broadcast %lt3A_371 : i32 to vector<16xi32>
      %lt3A_373 = arith.cmpi slt, %xor3A_370, %lt3A_372 : vector<16xi32>
      %add3A_374 = arith.constant 16 : i32
      %add3A_375 = vector.broadcast %add3A_374 : i32 to vector<16xi32>
      %add3A_376 = arith.addi %xor3A_370, %add3A_375 : vector<16xi32>
      %select_n3A_377 = arith.select %lt3A_373, %add3A_376, %xor3A_370 : vector<16xi1>, vector<16xi32>
      %broadcast_in_dim3A_378 = vector.shape_cast %select_n3A_377 : vector<16xi32> to vector<16x1xi32>
      %gather3A_379 = vector.shape_cast %broadcast_in_dim3A_378 : vector<16x1xi32> to vector<16xi32>
      %gather3A_380 = tpu.dynamic_gather %min3A_367[%gather3A_379] in [0] : vector<16xi32>, vector<16xi32> -> vector<16xi32>
      %min3A_381 = arith.minsi %min3A_367, %gather3A_380 : vector<16xi32>
      %scan3A_382 = arith.constant 0 : i32
      %scan3A_383 = arith.constant 128 : i32
      %scan3A_384 = arith.addi %scan3A_382, %scan3A_383 : i32
      %scan3A_385 = arith.constant 1 : i32
      %scan3A_386 = scf.for %scan3A_893 = %scan3A_382 to %scan3A_384 step %scan3A_385 iter_args(%scan3A_894 = %broadcast_in_dim3A_9) -> (vector<16xf32>)  : i32 {
        %mul3A_895 = arith.constant 16 : i32
        %mul3A_896 = arith.muli %scan3A_893, %mul3A_895 : i32
        %get3A = arith.index_cast %mul3A_896 : i32 to index
        %get3A_897 = tpu.vector_load %arg5[%get3A] {strides = array<i32>} : memref<2048xf32, #tpu.memory_space<vmem>>, vector<16xf32>,
        %get3A_898 = vector.shape_cast %get3A_897 : vector<16xf32> to vector<16xf32>
        %mul3A_899 = arith.constant 16 : i32
        %mul3A_900 = arith.muli %scan3A_893, %mul3A_899 : i32
        %add3A_901 = vector.broadcast %mul3A_900 : i32 to vector<16xi32>
        %add3A_902 = arith.addi %add3A_901, %iota3A : vector<16xi32>
        %eq3A_903 = arith.cmpi eq, %add3A_902, %min3A_129 : vector<16xi32>
        %select_n3A_904 = arith.select %eq3A_903, %broadcast_in_dim3A_9, %get3A_898 : vector<16xi1>, vector<16xf32>
        %eq3A_905 = arith.cmpi eq, %add3A_902, %min3A_255 : vector<16xi32>
        %select_n3A_906 = arith.select %eq3A_905, %broadcast_in_dim3A_9, %select_n3A_904 : vector<16xi1>, vector<16xf32>
        %eq3A_907 = arith.cmpi eq, %add3A_902, %min3A_381 : vector<16xi32>
        %select_n3A_908 = arith.select %eq3A_907, %broadcast_in_dim3A_9, %select_n3A_906 : vector<16xi1>, vector<16xf32>
        %max3A_909 = arith.maximumf %scan3A_894, %select_n3A_908 : vector<16xf32>
        scf.yield %max3A_909 : vector<16xf32>
      }
      %scan3A_387 = arith.constant 128 : i32
      %xor3A_388 = arith.constant 1 : i32
      %xor3A_389 = vector.broadcast %xor3A_388 : i32 to vector<16xi32>
      %xor3A_390 = arith.xori %iota3A, %xor3A_389 : vector<16xi32>
      %lt3A_391 = arith.constant 0 : i32
      %lt3A_392 = vector.broadcast %lt3A_391 : i32 to vector<16xi32>
      %lt3A_393 = arith.cmpi slt, %xor3A_390, %lt3A_392 : vector<16xi32>
      %add3A_394 = arith.constant 16 : i32
      %add3A_395 = vector.broadcast %add3A_394 : i32 to vector<16xi32>
      %add3A_396 = arith.addi %xor3A_390, %add3A_395 : vector<16xi32>
      %select_n3A_397 = arith.select %lt3A_393, %add3A_396, %xor3A_390 : vector<16xi1>, vector<16xi32>
      %broadcast_in_dim3A_398 = vector.shape_cast %select_n3A_397 : vector<16xi32> to vector<16x1xi32>
      %gather3A_399 = vector.shape_cast %broadcast_in_dim3A_398 : vector<16x1xi32> to vector<16xi32>
      %gather3A_400 = tpu.dynamic_gather %scan3A_386[%gather3A_399] in [0] : vector<16xf32>, vector<16xi32> -> vector<16xf32>
      %max3A_401 = arith.maximumf %scan3A_386, %gather3A_400 : vector<16xf32>
      %xor3A_402 = arith.constant 2 : i32
      %xor3A_403 = vector.broadcast %xor3A_402 : i32 to vector<16xi32>
      %xor3A_404 = arith.xori %iota3A, %xor3A_403 : vector<16xi32>
      %lt3A_405 = arith.constant 0 : i32
      %lt3A_406 = vector.broadcast %lt3A_405 : i32 to vector<16xi32>
      %lt3A_407 = arith.cmpi slt, %xor3A_404, %lt3A_406 : vector<16xi32>
      %add3A_408 = arith.constant 16 : i32
      %add3A_409 = vector.broadcast %add3A_408 : i32 to vector<16xi32>
      %add3A_410 = arith.addi %xor3A_404, %add3A_409 : vector<16xi32>
      %select_n3A_411 = arith.select %lt3A_407, %add3A_410, %xor3A_404 : vector<16xi1>, vector<16xi32>
      %broadcast_in_dim3A_412 = vector.shape_cast %select_n3A_411 : vector<16xi32> to vector<16x1xi32>
      %gather3A_413 = vector.shape_cast %broadcast_in_dim3A_412 : vector<16x1xi32> to vector<16xi32>
      %gather3A_414 = tpu.dynamic_gather %max3A_401[%gather3A_413] in [0] : vector<16xf32>, vector<16xi32> -> vector<16xf32>
      %max3A_415 = arith.maximumf %max3A_401, %gather3A_414 : vector<16xf32>
      %xor3A_416 = arith.constant 4 : i32
      %xor3A_417 = vector.broadcast %xor3A_416 : i32 to vector<16xi32>
      %xor3A_418 = arith.xori %iota3A, %xor3A_417 : vector<16xi32>
      %lt3A_419 = arith.constant 0 : i32
      %lt3A_420 = vector.broadcast %lt3A_419 : i32 to vector<16xi32>
      %lt3A_421 = arith.cmpi slt, %xor3A_418, %lt3A_420 : vector<16xi32>
      %add3A_422 = arith.constant 16 : i32
      %add3A_423 = vector.broadcast %add3A_422 : i32 to vector<16xi32>
      %add3A_424 = arith.addi %xor3A_418, %add3A_423 : vector<16xi32>
      %select_n3A_425 = arith.select %lt3A_421, %add3A_424, %xor3A_418 : vector<16xi1>, vector<16xi32>
      %broadcast_in_dim3A_426 = vector.shape_cast %select_n3A_425 : vector<16xi32> to vector<16x1xi32>
      %gather3A_427 = vector.shape_cast %broadcast_in_dim3A_426 : vector<16x1xi32> to vector<16xi32>
      %gather3A_428 = tpu.dynamic_gather %max3A_415[%gather3A_427] in [0] : vector<16xf32>, vector<16xi32> -> vector<16xf32>
      %max3A_429 = arith.maximumf %max3A_415, %gather3A_428 : vector<16xf32>
      %xor3A_430 = arith.constant 8 : i32
      %xor3A_431 = vector.broadcast %xor3A_430 : i32 to vector<16xi32>
      %xor3A_432 = arith.xori %iota3A, %xor3A_431 : vector<16xi32>
      %lt3A_433 = arith.constant 0 : i32
      %lt3A_434 = vector.broadcast %lt3A_433 : i32 to vector<16xi32>
      %lt3A_435 = arith.cmpi slt, %xor3A_432, %lt3A_434 : vector<16xi32>
      %add3A_436 = arith.constant 16 : i32
      %add3A_437 = vector.broadcast %add3A_436 : i32 to vector<16xi32>
      %add3A_438 = arith.addi %xor3A_432, %add3A_437 : vector<16xi32>
      %select_n3A_439 = arith.select %lt3A_435, %add3A_438, %xor3A_432 : vector<16xi1>, vector<16xi32>
      %broadcast_in_dim3A_440 = vector.shape_cast %select_n3A_439 : vector<16xi32> to vector<16x1xi32>
      %gather3A_441 = vector.shape_cast %broadcast_in_dim3A_440 : vector<16x1xi32> to vector<16xi32>
      %gather3A_442 = tpu.dynamic_gather %max3A_429[%gather3A_441] in [0] : vector<16xf32>, vector<16xi32> -> vector<16xf32>
      %max3A_443 = arith.maximumf %max3A_429, %gather3A_442 : vector<16xf32>
      %broadcast_in_dim3A_444 = arith.constant 2048 : i32
      %broadcast_in_dim3A_445 = vector.broadcast %broadcast_in_dim3A_444 : i32 to vector<16xi32>
      %scan3A_446 = arith.constant 0 : i32
      %scan3A_447 = arith.constant 128 : i32
      %scan3A_448 = arith.addi %scan3A_446, %scan3A_447 : i32
      %scan3A_449 = arith.constant 1 : i32
      %scan3A_450 = scf.for %scan3A_893 = %scan3A_446 to %scan3A_448 step %scan3A_449 iter_args(%scan3A_894 = %broadcast_in_dim3A_445) -> (vector<16xi32>)  : i32 {
        %mul3A_895 = arith.constant 16 : i32
        %mul3A_896 = arith.muli %scan3A_893, %mul3A_895 : i32
        %get3A = arith.index_cast %mul3A_896 : i32 to index
        %get3A_897 = tpu.vector_load %arg5[%get3A] {strides = array<i32>} : memref<2048xf32, #tpu.memory_space<vmem>>, vector<16xf32>,
        %get3A_898 = vector.shape_cast %get3A_897 : vector<16xf32> to vector<16xf32>
        %mul3A_899 = arith.constant 16 : i32
        %mul3A_900 = arith.muli %scan3A_893, %mul3A_899 : i32
        %add3A_901 = vector.broadcast %mul3A_900 : i32 to vector<16xi32>
        %add3A_902 = arith.addi %add3A_901, %iota3A : vector<16xi32>
        %eq3A_903 = arith.cmpi eq, %add3A_902, %min3A_129 : vector<16xi32>
        %select_n3A_904 = arith.select %eq3A_903, %broadcast_in_dim3A_9, %get3A_898 : vector<16xi1>, vector<16xf32>
        %eq3A_905 = arith.cmpi eq, %add3A_902, %min3A_255 : vector<16xi32>
        %select_n3A_906 = arith.select %eq3A_905, %broadcast_in_dim3A_9, %select_n3A_904 : vector<16xi1>, vector<16xf32>
        %eq3A_907 = arith.cmpi eq, %add3A_902, %min3A_381 : vector<16xi32>
        %select_n3A_908 = arith.select %eq3A_907, %broadcast_in_dim3A_9, %select_n3A_906 : vector<16xi1>, vector<16xf32>
        %eq3A_909 = arith.cmpf oeq, %select_n3A_908, %max3A_443 : vector<16xf32>
        %mul3A_910 = arith.constant 16 : i32
        %mul3A_911 = arith.muli %scan3A_893, %mul3A_910 : i32
        %add3A_912 = vector.broadcast %mul3A_911 : i32 to vector<16xi32>
        %add3A_913 = arith.addi %add3A_912, %iota3A : vector<16xi32>
        %jit3A = arith.constant 2048 : i32
        %broadcast_in_dim3A_914 = vector.broadcast %jit3A : i32 to vector<16xi32>
        %select_n3A_915 = arith.select %eq3A_909, %add3A_913, %broadcast_in_dim3A_914 : vector<16xi1>, vector<16xi32>
        %min3A_916 = arith.minsi %scan3A_894, %select_n3A_915 : vector<16xi32>
        scf.yield %min3A_916 : vector<16xi32>
      }
      %scan3A_451 = arith.constant 128 : i32
      %xor3A_452 = arith.constant 1 : i32
      %xor3A_453 = vector.broadcast %xor3A_452 : i32 to vector<16xi32>
      %xor3A_454 = arith.xori %iota3A, %xor3A_453 : vector<16xi32>
      %lt3A_455 = arith.constant 0 : i32
      %lt3A_456 = vector.broadcast %lt3A_455 : i32 to vector<16xi32>
      %lt3A_457 = arith.cmpi slt, %xor3A_454, %lt3A_456 : vector<16xi32>
      %add3A_458 = arith.constant 16 : i32
      %add3A_459 = vector.broadcast %add3A_458 : i32 to vector<16xi32>
      %add3A_460 = arith.addi %xor3A_454, %add3A_459 : vector<16xi32>
      %select_n3A_461 = arith.select %lt3A_457, %add3A_460, %xor3A_454 : vector<16xi1>, vector<16xi32>
      %broadcast_in_dim3A_462 = vector.shape_cast %select_n3A_461 : vector<16xi32> to vector<16x1xi32>
      %gather3A_463 = vector.shape_cast %broadcast_in_dim3A_462 : vector<16x1xi32> to vector<16xi32>
      %gather3A_464 = tpu.dynamic_gather %scan3A_450[%gather3A_463] in [0] : vector<16xi32>, vector<16xi32> -> vector<16xi32>
      %min3A_465 = arith.minsi %scan3A_450, %gather3A_464 : vector<16xi32>
      %xor3A_466 = arith.constant 2 : i32
      %xor3A_467 = vector.broadcast %xor3A_466 : i32 to vector<16xi32>
      %xor3A_468 = arith.xori %iota3A, %xor3A_467 : vector<16xi32>
      %lt3A_469 = arith.constant 0 : i32
      %lt3A_470 = vector.broadcast %lt3A_469 : i32 to vector<16xi32>
      %lt3A_471 = arith.cmpi slt, %xor3A_468, %lt3A_470 : vector<16xi32>
      %add3A_472 = arith.constant 16 : i32
      %add3A_473 = vector.broadcast %add3A_472 : i32 to vector<16xi32>
      %add3A_474 = arith.addi %xor3A_468, %add3A_473 : vector<16xi32>
      %select_n3A_475 = arith.select %lt3A_471, %add3A_474, %xor3A_468 : vector<16xi1>, vector<16xi32>
      %broadcast_in_dim3A_476 = vector.shape_cast %select_n3A_475 : vector<16xi32> to vector<16x1xi32>
      %gather3A_477 = vector.shape_cast %broadcast_in_dim3A_476 : vector<16x1xi32> to vector<16xi32>
      %gather3A_478 = tpu.dynamic_gather %min3A_465[%gather3A_477] in [0] : vector<16xi32>, vector<16xi32> -> vector<16xi32>
      %min3A_479 = arith.minsi %min3A_465, %gather3A_478 : vector<16xi32>
      %xor3A_480 = arith.constant 4 : i32
      %xor3A_481 = vector.broadcast %xor3A_480 : i32 to vector<16xi32>
      %xor3A_482 = arith.xori %iota3A, %xor3A_481 : vector<16xi32>
      %lt3A_483 = arith.constant 0 : i32
      %lt3A_484 = vector.broadcast %lt3A_483 : i32 to vector<16xi32>
      %lt3A_485 = arith.cmpi slt, %xor3A_482, %lt3A_484 : vector<16xi32>
      %add3A_486 = arith.constant 16 : i32
      %add3A_487 = vector.broadcast %add3A_486 : i32 to vector<16xi32>
      %add3A_488 = arith.addi %xor3A_482, %add3A_487 : vector<16xi32>
      %select_n3A_489 = arith.select %lt3A_485, %add3A_488, %xor3A_482 : vector<16xi1>, vector<16xi32>
      %broadcast_in_dim3A_490 = vector.shape_cast %select_n3A_489 : vector<16xi32> to vector<16x1xi32>
      %gather3A_491 = vector.shape_cast %broadcast_in_dim3A_490 : vector<16x1xi32> to vector<16xi32>
      %gather3A_492 = tpu.dynamic_gather %min3A_479[%gather3A_491] in [0] : vector<16xi32>, vector<16xi32> -> vector<16xi32>
      %min3A_493 = arith.minsi %min3A_479, %gather3A_492 : vector<16xi32>
      %xor3A_494 = arith.constant 8 : i32
      %xor3A_495 = vector.broadcast %xor3A_494 : i32 to vector<16xi32>
      %xor3A_496 = arith.xori %iota3A, %xor3A_495 : vector<16xi32>
      %lt3A_497 = arith.constant 0 : i32
      %lt3A_498 = vector.broadcast %lt3A_497 : i32 to vector<16xi32>
      %lt3A_499 = arith.cmpi slt, %xor3A_496, %lt3A_498 : vector<16xi32>
      %add3A_500 = arith.constant 16 : i32
      %add3A_501 = vector.broadcast %add3A_500 : i32 to vector<16xi32>
      %add3A_502 = arith.addi %xor3A_496, %add3A_501 : vector<16xi32>
      %select_n3A_503 = arith.select %lt3A_499, %add3A_502, %xor3A_496 : vector<16xi1>, vector<16xi32>
      %broadcast_in_dim3A_504 = vector.shape_cast %select_n3A_503 : vector<16xi32> to vector<16x1xi32>
      %gather3A_505 = vector.shape_cast %broadcast_in_dim3A_504 : vector<16x1xi32> to vector<16xi32>
      %gather3A_506 = tpu.dynamic_gather %min3A_493[%gather3A_505] in [0] : vector<16xi32>, vector<16xi32> -> vector<16xi32>
      %min3A_507 = arith.minsi %min3A_493, %gather3A_506 : vector<16xi32>
      %scan3A_508 = arith.constant 0 : i32
      %scan3A_509 = arith.constant 128 : i32
      %scan3A_510 = arith.addi %scan3A_508, %scan3A_509 : i32
      %scan3A_511 = arith.constant 1 : i32
      %scan3A_512 = scf.for %scan3A_893 = %scan3A_508 to %scan3A_510 step %scan3A_511 iter_args(%scan3A_894 = %broadcast_in_dim3A_9) -> (vector<16xf32>)  : i32 {
        %mul3A_895 = arith.constant 16 : i32
        %mul3A_896 = arith.muli %scan3A_893, %mul3A_895 : i32
        %get3A = arith.index_cast %mul3A_896 : i32 to index
        %get3A_897 = tpu.vector_load %arg5[%get3A] {strides = array<i32>} : memref<2048xf32, #tpu.memory_space<vmem>>, vector<16xf32>,
        %get3A_898 = vector.shape_cast %get3A_897 : vector<16xf32> to vector<16xf32>
        %mul3A_899 = arith.constant 16 : i32
        %mul3A_900 = arith.muli %scan3A_893, %mul3A_899 : i32
        %add3A_901 = vector.broadcast %mul3A_900 : i32 to vector<16xi32>
        %add3A_902 = arith.addi %add3A_901, %iota3A : vector<16xi32>
        %eq3A_903 = arith.cmpi eq, %add3A_902, %min3A_129 : vector<16xi32>
        %select_n3A_904 = arith.select %eq3A_903, %broadcast_in_dim3A_9, %get3A_898 : vector<16xi1>, vector<16xf32>
        %eq3A_905 = arith.cmpi eq, %add3A_902, %min3A_255 : vector<16xi32>
        %select_n3A_906 = arith.select %eq3A_905, %broadcast_in_dim3A_9, %select_n3A_904 : vector<16xi1>, vector<16xf32>
        %eq3A_907 = arith.cmpi eq, %add3A_902, %min3A_381 : vector<16xi32>
        %select_n3A_908 = arith.select %eq3A_907, %broadcast_in_dim3A_9, %select_n3A_906 : vector<16xi1>, vector<16xf32>
        %eq3A_909 = arith.cmpi eq, %add3A_902, %min3A_507 : vector<16xi32>
        %select_n3A_910 = arith.select %eq3A_909, %broadcast_in_dim3A_9, %select_n3A_908 : vector<16xi1>, vector<16xf32>
        %max3A_911 = arith.maximumf %scan3A_894, %select_n3A_910 : vector<16xf32>
        scf.yield %max3A_911 : vector<16xf32>
      }
      %scan3A_513 = arith.constant 128 : i32
      %xor3A_514 = arith.constant 1 : i32
      %xor3A_515 = vector.broadcast %xor3A_514 : i32 to vector<16xi32>
      %xor3A_516 = arith.xori %iota3A, %xor3A_515 : vector<16xi32>
      %lt3A_517 = arith.constant 0 : i32
      %lt3A_518 = vector.broadcast %lt3A_517 : i32 to vector<16xi32>
      %lt3A_519 = arith.cmpi slt, %xor3A_516, %lt3A_518 : vector<16xi32>
      %add3A_520 = arith.constant 16 : i32
      %add3A_521 = vector.broadcast %add3A_520 : i32 to vector<16xi32>
      %add3A_522 = arith.addi %xor3A_516, %add3A_521 : vector<16xi32>
      %select_n3A_523 = arith.select %lt3A_519, %add3A_522, %xor3A_516 : vector<16xi1>, vector<16xi32>
      %broadcast_in_dim3A_524 = vector.shape_cast %select_n3A_523 : vector<16xi32> to vector<16x1xi32>
      %gather3A_525 = vector.shape_cast %broadcast_in_dim3A_524 : vector<16x1xi32> to vector<16xi32>
      %gather3A_526 = tpu.dynamic_gather %scan3A_512[%gather3A_525] in [0] : vector<16xf32>, vector<16xi32> -> vector<16xf32>
      %max3A_527 = arith.maximumf %scan3A_512, %gather3A_526 : vector<16xf32>
      %xor3A_528 = arith.constant 2 : i32
      %xor3A_529 = vector.broadcast %xor3A_528 : i32 to vector<16xi32>
      %xor3A_530 = arith.xori %iota3A, %xor3A_529 : vector<16xi32>
      %lt3A_531 = arith.constant 0 : i32
      %lt3A_532 = vector.broadcast %lt3A_531 : i32 to vector<16xi32>
      %lt3A_533 = arith.cmpi slt, %xor3A_530, %lt3A_532 : vector<16xi32>
      %add3A_534 = arith.constant 16 : i32
      %add3A_535 = vector.broadcast %add3A_534 : i32 to vector<16xi32>
      %add3A_536 = arith.addi %xor3A_530, %add3A_535 : vector<16xi32>
      %select_n3A_537 = arith.select %lt3A_533, %add3A_536, %xor3A_530 : vector<16xi1>, vector<16xi32>
      %broadcast_in_dim3A_538 = vector.shape_cast %select_n3A_537 : vector<16xi32> to vector<16x1xi32>
      %gather3A_539 = vector.shape_cast %broadcast_in_dim3A_538 : vector<16x1xi32> to vector<16xi32>
      %gather3A_540 = tpu.dynamic_gather %max3A_527[%gather3A_539] in [0] : vector<16xf32>, vector<16xi32> -> vector<16xf32>
      %max3A_541 = arith.maximumf %max3A_527, %gather3A_540 : vector<16xf32>
      %xor3A_542 = arith.constant 4 : i32
      %xor3A_543 = vector.broadcast %xor3A_542 : i32 to vector<16xi32>
      %xor3A_544 = arith.xori %iota3A, %xor3A_543 : vector<16xi32>
      %lt3A_545 = arith.constant 0 : i32
      %lt3A_546 = vector.broadcast %lt3A_545 : i32 to vector<16xi32>
      %lt3A_547 = arith.cmpi slt, %xor3A_544, %lt3A_546 : vector<16xi32>
      %add3A_548 = arith.constant 16 : i32
      %add3A_549 = vector.broadcast %add3A_548 : i32 to vector<16xi32>
      %add3A_550 = arith.addi %xor3A_544, %add3A_549 : vector<16xi32>
      %select_n3A_551 = arith.select %lt3A_547, %add3A_550, %xor3A_544 : vector<16xi1>, vector<16xi32>
      %broadcast_in_dim3A_552 = vector.shape_cast %select_n3A_551 : vector<16xi32> to vector<16x1xi32>
      %gather3A_553 = vector.shape_cast %broadcast_in_dim3A_552 : vector<16x1xi32> to vector<16xi32>
      %gather3A_554 = tpu.dynamic_gather %max3A_541[%gather3A_553] in [0] : vector<16xf32>, vector<16xi32> -> vector<16xf32>
      %max3A_555 = arith.maximumf %max3A_541, %gather3A_554 : vector<16xf32>
      %xor3A_556 = arith.constant 8 : i32
      %xor3A_557 = vector.broadcast %xor3A_556 : i32 to vector<16xi32>
      %xor3A_558 = arith.xori %iota3A, %xor3A_557 : vector<16xi32>
      %lt3A_559 = arith.constant 0 : i32
      %lt3A_560 = vector.broadcast %lt3A_559 : i32 to vector<16xi32>
      %lt3A_561 = arith.cmpi slt, %xor3A_558, %lt3A_560 : vector<16xi32>
      %add3A_562 = arith.constant 16 : i32
      %add3A_563 = vector.broadcast %add3A_562 : i32 to vector<16xi32>
      %add3A_564 = arith.addi %xor3A_558, %add3A_563 : vector<16xi32>
      %select_n3A_565 = arith.select %lt3A_561, %add3A_564, %xor3A_558 : vector<16xi1>, vector<16xi32>
      %broadcast_in_dim3A_566 = vector.shape_cast %select_n3A_565 : vector<16xi32> to vector<16x1xi32>
      %gather3A_567 = vector.shape_cast %broadcast_in_dim3A_566 : vector<16x1xi32> to vector<16xi32>
      %gather3A_568 = tpu.dynamic_gather %max3A_555[%gather3A_567] in [0] : vector<16xf32>, vector<16xi32> -> vector<16xf32>
      %max3A_569 = arith.maximumf %max3A_555, %gather3A_568 : vector<16xf32>
      %broadcast_in_dim3A_570 = arith.constant 2048 : i32
      %broadcast_in_dim3A_571 = vector.broadcast %broadcast_in_dim3A_570 : i32 to vector<16xi32>
      %scan3A_572 = arith.constant 0 : i32
      %scan3A_573 = arith.constant 128 : i32
      %scan3A_574 = arith.addi %scan3A_572, %scan3A_573 : i32
      %scan3A_575 = arith.constant 1 : i32
      %scan3A_576 = scf.for %scan3A_893 = %scan3A_572 to %scan3A_574 step %scan3A_575 iter_args(%scan3A_894 = %broadcast_in_dim3A_571) -> (vector<16xi32>)  : i32 {
        %mul3A_895 = arith.constant 16 : i32
        %mul3A_896 = arith.muli %scan3A_893, %mul3A_895 : i32
        %get3A = arith.index_cast %mul3A_896 : i32 to index
        %get3A_897 = tpu.vector_load %arg5[%get3A] {strides = array<i32>} : memref<2048xf32, #tpu.memory_space<vmem>>, vector<16xf32>,
        %get3A_898 = vector.shape_cast %get3A_897 : vector<16xf32> to vector<16xf32>
        %mul3A_899 = arith.constant 16 : i32
        %mul3A_900 = arith.muli %scan3A_893, %mul3A_899 : i32
        %add3A_901 = vector.broadcast %mul3A_900 : i32 to vector<16xi32>
        %add3A_902 = arith.addi %add3A_901, %iota3A : vector<16xi32>
        %eq3A_903 = arith.cmpi eq, %add3A_902, %min3A_129 : vector<16xi32>
        %select_n3A_904 = arith.select %eq3A_903, %broadcast_in_dim3A_9, %get3A_898 : vector<16xi1>, vector<16xf32>
        %eq3A_905 = arith.cmpi eq, %add3A_902, %min3A_255 : vector<16xi32>
        %select_n3A_906 = arith.select %eq3A_905, %broadcast_in_dim3A_9, %select_n3A_904 : vector<16xi1>, vector<16xf32>
        %eq3A_907 = arith.cmpi eq, %add3A_902, %min3A_381 : vector<16xi32>
        %select_n3A_908 = arith.select %eq3A_907, %broadcast_in_dim3A_9, %select_n3A_906 : vector<16xi1>, vector<16xf32>
        %eq3A_909 = arith.cmpi eq, %add3A_902, %min3A_507 : vector<16xi32>
        %select_n3A_910 = arith.select %eq3A_909, %broadcast_in_dim3A_9, %select_n3A_908 : vector<16xi1>, vector<16xf32>
        %eq3A_911 = arith.cmpf oeq, %select_n3A_910, %max3A_569 : vector<16xf32>
        %mul3A_912 = arith.constant 16 : i32
        %mul3A_913 = arith.muli %scan3A_893, %mul3A_912 : i32
        %add3A_914 = vector.broadcast %mul3A_913 : i32 to vector<16xi32>
        %add3A_915 = arith.addi %add3A_914, %iota3A : vector<16xi32>
        %jit3A = arith.constant 2048 : i32
        %broadcast_in_dim3A_916 = vector.broadcast %jit3A : i32 to vector<16xi32>
        %select_n3A_917 = arith.select %eq3A_911, %add3A_915, %broadcast_in_dim3A_916 : vector<16xi1>, vector<16xi32>
        %min3A_918 = arith.minsi %scan3A_894, %select_n3A_917 : vector<16xi32>
        scf.yield %min3A_918 : vector<16xi32>
      }
      %scan3A_577 = arith.constant 128 : i32
      %xor3A_578 = arith.constant 1 : i32
      %xor3A_579 = vector.broadcast %xor3A_578 : i32 to vector<16xi32>
      %xor3A_580 = arith.xori %iota3A, %xor3A_579 : vector<16xi32>
      %lt3A_581 = arith.constant 0 : i32
      %lt3A_582 = vector.broadcast %lt3A_581 : i32 to vector<16xi32>
      %lt3A_583 = arith.cmpi slt, %xor3A_580, %lt3A_582 : vector<16xi32>
      %add3A_584 = arith.constant 16 : i32
      %add3A_585 = vector.broadcast %add3A_584 : i32 to vector<16xi32>
      %add3A_586 = arith.addi %xor3A_580, %add3A_585 : vector<16xi32>
      %select_n3A_587 = arith.select %lt3A_583, %add3A_586, %xor3A_580 : vector<16xi1>, vector<16xi32>
      %broadcast_in_dim3A_588 = vector.shape_cast %select_n3A_587 : vector<16xi32> to vector<16x1xi32>
      %gather3A_589 = vector.shape_cast %broadcast_in_dim3A_588 : vector<16x1xi32> to vector<16xi32>
      %gather3A_590 = tpu.dynamic_gather %scan3A_576[%gather3A_589] in [0] : vector<16xi32>, vector<16xi32> -> vector<16xi32>
      %min3A_591 = arith.minsi %scan3A_576, %gather3A_590 : vector<16xi32>
      %xor3A_592 = arith.constant 2 : i32
      %xor3A_593 = vector.broadcast %xor3A_592 : i32 to vector<16xi32>
      %xor3A_594 = arith.xori %iota3A, %xor3A_593 : vector<16xi32>
      %lt3A_595 = arith.constant 0 : i32
      %lt3A_596 = vector.broadcast %lt3A_595 : i32 to vector<16xi32>
      %lt3A_597 = arith.cmpi slt, %xor3A_594, %lt3A_596 : vector<16xi32>
      %add3A_598 = arith.constant 16 : i32
      %add3A_599 = vector.broadcast %add3A_598 : i32 to vector<16xi32>
      %add3A_600 = arith.addi %xor3A_594, %add3A_599 : vector<16xi32>
      %select_n3A_601 = arith.select %lt3A_597, %add3A_600, %xor3A_594 : vector<16xi1>, vector<16xi32>
      %broadcast_in_dim3A_602 = vector.shape_cast %select_n3A_601 : vector<16xi32> to vector<16x1xi32>
      %gather3A_603 = vector.shape_cast %broadcast_in_dim3A_602 : vector<16x1xi32> to vector<16xi32>
      %gather3A_604 = tpu.dynamic_gather %min3A_591[%gather3A_603] in [0] : vector<16xi32>, vector<16xi32> -> vector<16xi32>
      %min3A_605 = arith.minsi %min3A_591, %gather3A_604 : vector<16xi32>
      %xor3A_606 = arith.constant 4 : i32
      %xor3A_607 = vector.broadcast %xor3A_606 : i32 to vector<16xi32>
      %xor3A_608 = arith.xori %iota3A, %xor3A_607 : vector<16xi32>
      %lt3A_609 = arith.constant 0 : i32
      %lt3A_610 = vector.broadcast %lt3A_609 : i32 to vector<16xi32>
      %lt3A_611 = arith.cmpi slt, %xor3A_608, %lt3A_610 : vector<16xi32>
      %add3A_612 = arith.constant 16 : i32
      %add3A_613 = vector.broadcast %add3A_612 : i32 to vector<16xi32>
      %add3A_614 = arith.addi %xor3A_608, %add3A_613 : vector<16xi32>
      %select_n3A_615 = arith.select %lt3A_611, %add3A_614, %xor3A_608 : vector<16xi1>, vector<16xi32>
      %broadcast_in_dim3A_616 = vector.shape_cast %select_n3A_615 : vector<16xi32> to vector<16x1xi32>
      %gather3A_617 = vector.shape_cast %broadcast_in_dim3A_616 : vector<16x1xi32> to vector<16xi32>
      %gather3A_618 = tpu.dynamic_gather %min3A_605[%gather3A_617] in [0] : vector<16xi32>, vector<16xi32> -> vector<16xi32>
      %min3A_619 = arith.minsi %min3A_605, %gather3A_618 : vector<16xi32>
      %xor3A_620 = arith.constant 8 : i32
      %xor3A_621 = vector.broadcast %xor3A_620 : i32 to vector<16xi32>
      %xor3A_622 = arith.xori %iota3A, %xor3A_621 : vector<16xi32>
      %lt3A_623 = arith.constant 0 : i32
      %lt3A_624 = vector.broadcast %lt3A_623 : i32 to vector<16xi32>
      %lt3A_625 = arith.cmpi slt, %xor3A_622, %lt3A_624 : vector<16xi32>
      %add3A_626 = arith.constant 16 : i32
      %add3A_627 = vector.broadcast %add3A_626 : i32 to vector<16xi32>
      %add3A_628 = arith.addi %xor3A_622, %add3A_627 : vector<16xi32>
      %select_n3A_629 = arith.select %lt3A_625, %add3A_628, %xor3A_622 : vector<16xi1>, vector<16xi32>
      %broadcast_in_dim3A_630 = vector.shape_cast %select_n3A_629 : vector<16xi32> to vector<16x1xi32>
      %gather3A_631 = vector.shape_cast %broadcast_in_dim3A_630 : vector<16x1xi32> to vector<16xi32>
      %gather3A_632 = tpu.dynamic_gather %min3A_619[%gather3A_631] in [0] : vector<16xi32>, vector<16xi32> -> vector<16xi32>
      %min3A_633 = arith.minsi %min3A_619, %gather3A_632 : vector<16xi32>
      %scan3A_634 = arith.constant 0 : i32
      %scan3A_635 = arith.constant 128 : i32
      %scan3A_636 = arith.addi %scan3A_634, %scan3A_635 : i32
      %scan3A_637 = arith.constant 1 : i32
      %scan3A_638 = scf.for %scan3A_893 = %scan3A_634 to %scan3A_636 step %scan3A_637 iter_args(%scan3A_894 = %broadcast_in_dim3A_9) -> (vector<16xf32>)  : i32 {
        %mul3A_895 = arith.constant 16 : i32
        %mul3A_896 = arith.muli %scan3A_893, %mul3A_895 : i32
        %get3A = arith.index_cast %mul3A_896 : i32 to index
        %get3A_897 = tpu.vector_load %arg5[%get3A] {strides = array<i32>} : memref<2048xf32, #tpu.memory_space<vmem>>, vector<16xf32>,
        %get3A_898 = vector.shape_cast %get3A_897 : vector<16xf32> to vector<16xf32>
        %mul3A_899 = arith.constant 16 : i32
        %mul3A_900 = arith.muli %scan3A_893, %mul3A_899 : i32
        %add3A_901 = vector.broadcast %mul3A_900 : i32 to vector<16xi32>
        %add3A_902 = arith.addi %add3A_901, %iota3A : vector<16xi32>
        %eq3A_903 = arith.cmpi eq, %add3A_902, %min3A_129 : vector<16xi32>
        %select_n3A_904 = arith.select %eq3A_903, %broadcast_in_dim3A_9, %get3A_898 : vector<16xi1>, vector<16xf32>
        %eq3A_905 = arith.cmpi eq, %add3A_902, %min3A_255 : vector<16xi32>
        %select_n3A_906 = arith.select %eq3A_905, %broadcast_in_dim3A_9, %select_n3A_904 : vector<16xi1>, vector<16xf32>
        %eq3A_907 = arith.cmpi eq, %add3A_902, %min3A_381 : vector<16xi32>
        %select_n3A_908 = arith.select %eq3A_907, %broadcast_in_dim3A_9, %select_n3A_906 : vector<16xi1>, vector<16xf32>
        %eq3A_909 = arith.cmpi eq, %add3A_902, %min3A_507 : vector<16xi32>
        %select_n3A_910 = arith.select %eq3A_909, %broadcast_in_dim3A_9, %select_n3A_908 : vector<16xi1>, vector<16xf32>
        %eq3A_911 = arith.cmpi eq, %add3A_902, %min3A_633 : vector<16xi32>
        %select_n3A_912 = arith.select %eq3A_911, %broadcast_in_dim3A_9, %select_n3A_910 : vector<16xi1>, vector<16xf32>
        %max3A_913 = arith.maximumf %scan3A_894, %select_n3A_912 : vector<16xf32>
        scf.yield %max3A_913 : vector<16xf32>
      }
      %scan3A_639 = arith.constant 128 : i32
      %xor3A_640 = arith.constant 1 : i32
      %xor3A_641 = vector.broadcast %xor3A_640 : i32 to vector<16xi32>
      %xor3A_642 = arith.xori %iota3A, %xor3A_641 : vector<16xi32>
      %lt3A_643 = arith.constant 0 : i32
      %lt3A_644 = vector.broadcast %lt3A_643 : i32 to vector<16xi32>
      %lt3A_645 = arith.cmpi slt, %xor3A_642, %lt3A_644 : vector<16xi32>
      %add3A_646 = arith.constant 16 : i32
      %add3A_647 = vector.broadcast %add3A_646 : i32 to vector<16xi32>
      %add3A_648 = arith.addi %xor3A_642, %add3A_647 : vector<16xi32>
      %select_n3A_649 = arith.select %lt3A_645, %add3A_648, %xor3A_642 : vector<16xi1>, vector<16xi32>
      %broadcast_in_dim3A_650 = vector.shape_cast %select_n3A_649 : vector<16xi32> to vector<16x1xi32>
      %gather3A_651 = vector.shape_cast %broadcast_in_dim3A_650 : vector<16x1xi32> to vector<16xi32>
      %gather3A_652 = tpu.dynamic_gather %scan3A_638[%gather3A_651] in [0] : vector<16xf32>, vector<16xi32> -> vector<16xf32>
      %max3A_653 = arith.maximumf %scan3A_638, %gather3A_652 : vector<16xf32>
      %xor3A_654 = arith.constant 2 : i32
      %xor3A_655 = vector.broadcast %xor3A_654 : i32 to vector<16xi32>
      %xor3A_656 = arith.xori %iota3A, %xor3A_655 : vector<16xi32>
      %lt3A_657 = arith.constant 0 : i32
      %lt3A_658 = vector.broadcast %lt3A_657 : i32 to vector<16xi32>
      %lt3A_659 = arith.cmpi slt, %xor3A_656, %lt3A_658 : vector<16xi32>
      %add3A_660 = arith.constant 16 : i32
      %add3A_661 = vector.broadcast %add3A_660 : i32 to vector<16xi32>
      %add3A_662 = arith.addi %xor3A_656, %add3A_661 : vector<16xi32>
      %select_n3A_663 = arith.select %lt3A_659, %add3A_662, %xor3A_656 : vector<16xi1>, vector<16xi32>
      %broadcast_in_dim3A_664 = vector.shape_cast %select_n3A_663 : vector<16xi32> to vector<16x1xi32>
      %gather3A_665 = vector.shape_cast %broadcast_in_dim3A_664 : vector<16x1xi32> to vector<16xi32>
      %gather3A_666 = tpu.dynamic_gather %max3A_653[%gather3A_665] in [0] : vector<16xf32>, vector<16xi32> -> vector<16xf32>
      %max3A_667 = arith.maximumf %max3A_653, %gather3A_666 : vector<16xf32>
      %xor3A_668 = arith.constant 4 : i32
      %xor3A_669 = vector.broadcast %xor3A_668 : i32 to vector<16xi32>
      %xor3A_670 = arith.xori %iota3A, %xor3A_669 : vector<16xi32>
      %lt3A_671 = arith.constant 0 : i32
      %lt3A_672 = vector.broadcast %lt3A_671 : i32 to vector<16xi32>
      %lt3A_673 = arith.cmpi slt, %xor3A_670, %lt3A_672 : vector<16xi32>
      %add3A_674 = arith.constant 16 : i32
      %add3A_675 = vector.broadcast %add3A_674 : i32 to vector<16xi32>
      %add3A_676 = arith.addi %xor3A_670, %add3A_675 : vector<16xi32>
      %select_n3A_677 = arith.select %lt3A_673, %add3A_676, %xor3A_670 : vector<16xi1>, vector<16xi32>
      %broadcast_in_dim3A_678 = vector.shape_cast %select_n3A_677 : vector<16xi32> to vector<16x1xi32>
      %gather3A_679 = vector.shape_cast %broadcast_in_dim3A_678 : vector<16x1xi32> to vector<16xi32>
      %gather3A_680 = tpu.dynamic_gather %max3A_667[%gather3A_679] in [0] : vector<16xf32>, vector<16xi32> -> vector<16xf32>
      %max3A_681 = arith.maximumf %max3A_667, %gather3A_680 : vector<16xf32>
      %xor3A_682 = arith.constant 8 : i32
      %xor3A_683 = vector.broadcast %xor3A_682 : i32 to vector<16xi32>
      %xor3A_684 = arith.xori %iota3A, %xor3A_683 : vector<16xi32>
      %lt3A_685 = arith.constant 0 : i32
      %lt3A_686 = vector.broadcast %lt3A_685 : i32 to vector<16xi32>
      %lt3A_687 = arith.cmpi slt, %xor3A_684, %lt3A_686 : vector<16xi32>
      %add3A_688 = arith.constant 16 : i32
      %add3A_689 = vector.broadcast %add3A_688 : i32 to vector<16xi32>
      %add3A_690 = arith.addi %xor3A_684, %add3A_689 : vector<16xi32>
      %select_n3A_691 = arith.select %lt3A_687, %add3A_690, %xor3A_684 : vector<16xi1>, vector<16xi32>
      %broadcast_in_dim3A_692 = vector.shape_cast %select_n3A_691 : vector<16xi32> to vector<16x1xi32>
      %gather3A_693 = vector.shape_cast %broadcast_in_dim3A_692 : vector<16x1xi32> to vector<16xi32>
      %gather3A_694 = tpu.dynamic_gather %max3A_681[%gather3A_693] in [0] : vector<16xf32>, vector<16xi32> -> vector<16xf32>
      %max3A_695 = arith.maximumf %max3A_681, %gather3A_694 : vector<16xf32>
      %broadcast_in_dim3A_696 = arith.constant 2048 : i32
      %broadcast_in_dim3A_697 = vector.broadcast %broadcast_in_dim3A_696 : i32 to vector<16xi32>
      %scan3A_698 = arith.constant 0 : i32
      %scan3A_699 = arith.constant 128 : i32
      %scan3A_700 = arith.addi %scan3A_698, %scan3A_699 : i32
      %scan3A_701 = arith.constant 1 : i32
      %scan3A_702 = scf.for %scan3A_893 = %scan3A_698 to %scan3A_700 step %scan3A_701 iter_args(%scan3A_894 = %broadcast_in_dim3A_697) -> (vector<16xi32>)  : i32 {
        %mul3A_895 = arith.constant 16 : i32
        %mul3A_896 = arith.muli %scan3A_893, %mul3A_895 : i32
        %get3A = arith.index_cast %mul3A_896 : i32 to index
        %get3A_897 = tpu.vector_load %arg5[%get3A] {strides = array<i32>} : memref<2048xf32, #tpu.memory_space<vmem>>, vector<16xf32>,
        %get3A_898 = vector.shape_cast %get3A_897 : vector<16xf32> to vector<16xf32>
        %mul3A_899 = arith.constant 16 : i32
        %mul3A_900 = arith.muli %scan3A_893, %mul3A_899 : i32
        %add3A_901 = vector.broadcast %mul3A_900 : i32 to vector<16xi32>
        %add3A_902 = arith.addi %add3A_901, %iota3A : vector<16xi32>
        %eq3A_903 = arith.cmpi eq, %add3A_902, %min3A_129 : vector<16xi32>
        %select_n3A_904 = arith.select %eq3A_903, %broadcast_in_dim3A_9, %get3A_898 : vector<16xi1>, vector<16xf32>
        %eq3A_905 = arith.cmpi eq, %add3A_902, %min3A_255 : vector<16xi32>
        %select_n3A_906 = arith.select %eq3A_905, %broadcast_in_dim3A_9, %select_n3A_904 : vector<16xi1>, vector<16xf32>
        %eq3A_907 = arith.cmpi eq, %add3A_902, %min3A_381 : vector<16xi32>
        %select_n3A_908 = arith.select %eq3A_907, %broadcast_in_dim3A_9, %select_n3A_906 : vector<16xi1>, vector<16xf32>
        %eq3A_909 = arith.cmpi eq, %add3A_902, %min3A_507 : vector<16xi32>
        %select_n3A_910 = arith.select %eq3A_909, %broadcast_in_dim3A_9, %select_n3A_908 : vector<16xi1>, vector<16xf32>
        %eq3A_911 = arith.cmpi eq, %add3A_902, %min3A_633 : vector<16xi32>
        %select_n3A_912 = arith.select %eq3A_911, %broadcast_in_dim3A_9, %select_n3A_910 : vector<16xi1>, vector<16xf32>
        %eq3A_913 = arith.cmpf oeq, %select_n3A_912, %max3A_695 : vector<16xf32>
        %mul3A_914 = arith.constant 16 : i32
        %mul3A_915 = arith.muli %scan3A_893, %mul3A_914 : i32
        %add3A_916 = vector.broadcast %mul3A_915 : i32 to vector<16xi32>
        %add3A_917 = arith.addi %add3A_916, %iota3A : vector<16xi32>
        %jit3A = arith.constant 2048 : i32
        %broadcast_in_dim3A_918 = vector.broadcast %jit3A : i32 to vector<16xi32>
        %select_n3A_919 = arith.select %eq3A_913, %add3A_917, %broadcast_in_dim3A_918 : vector<16xi1>, vector<16xi32>
        %min3A_920 = arith.minsi %scan3A_894, %select_n3A_919 : vector<16xi32>
        scf.yield %min3A_920 : vector<16xi32>
      }
      %scan3A_703 = arith.constant 128 : i32
      %xor3A_704 = arith.constant 1 : i32
      %xor3A_705 = vector.broadcast %xor3A_704 : i32 to vector<16xi32>
      %xor3A_706 = arith.xori %iota3A, %xor3A_705 : vector<16xi32>
      %lt3A_707 = arith.constant 0 : i32
      %lt3A_708 = vector.broadcast %lt3A_707 : i32 to vector<16xi32>
      %lt3A_709 = arith.cmpi slt, %xor3A_706, %lt3A_708 : vector<16xi32>
      %add3A_710 = arith.constant 16 : i32
      %add3A_711 = vector.broadcast %add3A_710 : i32 to vector<16xi32>
      %add3A_712 = arith.addi %xor3A_706, %add3A_711 : vector<16xi32>
      %select_n3A_713 = arith.select %lt3A_709, %add3A_712, %xor3A_706 : vector<16xi1>, vector<16xi32>
      %broadcast_in_dim3A_714 = vector.shape_cast %select_n3A_713 : vector<16xi32> to vector<16x1xi32>
      %gather3A_715 = vector.shape_cast %broadcast_in_dim3A_714 : vector<16x1xi32> to vector<16xi32>
      %gather3A_716 = tpu.dynamic_gather %scan3A_702[%gather3A_715] in [0] : vector<16xi32>, vector<16xi32> -> vector<16xi32>
      %min3A_717 = arith.minsi %scan3A_702, %gather3A_716 : vector<16xi32>
      %xor3A_718 = arith.constant 2 : i32
      %xor3A_719 = vector.broadcast %xor3A_718 : i32 to vector<16xi32>
      %xor3A_720 = arith.xori %iota3A, %xor3A_719 : vector<16xi32>
      %lt3A_721 = arith.constant 0 : i32
      %lt3A_722 = vector.broadcast %lt3A_721 : i32 to vector<16xi32>
      %lt3A_723 = arith.cmpi slt, %xor3A_720, %lt3A_722 : vector<16xi32>
      %add3A_724 = arith.constant 16 : i32
      %add3A_725 = vector.broadcast %add3A_724 : i32 to vector<16xi32>
      %add3A_726 = arith.addi %xor3A_720, %add3A_725 : vector<16xi32>
      %select_n3A_727 = arith.select %lt3A_723, %add3A_726, %xor3A_720 : vector<16xi1>, vector<16xi32>
      %broadcast_in_dim3A_728 = vector.shape_cast %select_n3A_727 : vector<16xi32> to vector<16x1xi32>
      %gather3A_729 = vector.shape_cast %broadcast_in_dim3A_728 : vector<16x1xi32> to vector<16xi32>
      %gather3A_730 = tpu.dynamic_gather %min3A_717[%gather3A_729] in [0] : vector<16xi32>, vector<16xi32> -> vector<16xi32>
      %min3A_731 = arith.minsi %min3A_717, %gather3A_730 : vector<16xi32>
      %xor3A_732 = arith.constant 4 : i32
      %xor3A_733 = vector.broadcast %xor3A_732 : i32 to vector<16xi32>
      %xor3A_734 = arith.xori %iota3A, %xor3A_733 : vector<16xi32>
      %lt3A_735 = arith.constant 0 : i32
      %lt3A_736 = vector.broadcast %lt3A_735 : i32 to vector<16xi32>
      %lt3A_737 = arith.cmpi slt, %xor3A_734, %lt3A_736 : vector<16xi32>
      %add3A_738 = arith.constant 16 : i32
      %add3A_739 = vector.broadcast %add3A_738 : i32 to vector<16xi32>
      %add3A_740 = arith.addi %xor3A_734, %add3A_739 : vector<16xi32>
      %select_n3A_741 = arith.select %lt3A_737, %add3A_740, %xor3A_734 : vector<16xi1>, vector<16xi32>
      %broadcast_in_dim3A_742 = vector.shape_cast %select_n3A_741 : vector<16xi32> to vector<16x1xi32>
      %gather3A_743 = vector.shape_cast %broadcast_in_dim3A_742 : vector<16x1xi32> to vector<16xi32>
      %gather3A_744 = tpu.dynamic_gather %min3A_731[%gather3A_743] in [0] : vector<16xi32>, vector<16xi32> -> vector<16xi32>
      %min3A_745 = arith.minsi %min3A_731, %gather3A_744 : vector<16xi32>
      %xor3A_746 = arith.constant 8 : i32
      %xor3A_747 = vector.broadcast %xor3A_746 : i32 to vector<16xi32>
      %xor3A_748 = arith.xori %iota3A, %xor3A_747 : vector<16xi32>
      %lt3A_749 = arith.constant 0 : i32
      %lt3A_750 = vector.broadcast %lt3A_749 : i32 to vector<16xi32>
      %lt3A_751 = arith.cmpi slt, %xor3A_748, %lt3A_750 : vector<16xi32>
      %add3A_752 = arith.constant 16 : i32
      %add3A_753 = vector.broadcast %add3A_752 : i32 to vector<16xi32>
      %add3A_754 = arith.addi %xor3A_748, %add3A_753 : vector<16xi32>
      %select_n3A_755 = arith.select %lt3A_751, %add3A_754, %xor3A_748 : vector<16xi1>, vector<16xi32>
      %broadcast_in_dim3A_756 = vector.shape_cast %select_n3A_755 : vector<16xi32> to vector<16x1xi32>
      %gather3A_757 = vector.shape_cast %broadcast_in_dim3A_756 : vector<16x1xi32> to vector<16xi32>
      %gather3A_758 = tpu.dynamic_gather %min3A_745[%gather3A_757] in [0] : vector<16xi32>, vector<16xi32> -> vector<16xi32>
      %min3A_759 = arith.minsi %min3A_745, %gather3A_758 : vector<16xi32>
      %scan3A_760 = arith.constant 0 : i32
      %scan3A_761 = arith.constant 128 : i32
      %scan3A_762 = arith.addi %scan3A_760, %scan3A_761 : i32
      %scan3A_763 = arith.constant 1 : i32
      %scan3A_764 = scf.for %scan3A_893 = %scan3A_760 to %scan3A_762 step %scan3A_763 iter_args(%scan3A_894 = %broadcast_in_dim3A_9) -> (vector<16xf32>)  : i32 {
        %mul3A_895 = arith.constant 16 : i32
        %mul3A_896 = arith.muli %scan3A_893, %mul3A_895 : i32
        %get3A = arith.index_cast %mul3A_896 : i32 to index
        %get3A_897 = tpu.vector_load %arg5[%get3A] {strides = array<i32>} : memref<2048xf32, #tpu.memory_space<vmem>>, vector<16xf32>,
        %get3A_898 = vector.shape_cast %get3A_897 : vector<16xf32> to vector<16xf32>
        %mul3A_899 = arith.constant 16 : i32
        %mul3A_900 = arith.muli %scan3A_893, %mul3A_899 : i32
        %add3A_901 = vector.broadcast %mul3A_900 : i32 to vector<16xi32>
        %add3A_902 = arith.addi %add3A_901, %iota3A : vector<16xi32>
        %eq3A_903 = arith.cmpi eq, %add3A_902, %min3A_129 : vector<16xi32>
        %select_n3A_904 = arith.select %eq3A_903, %broadcast_in_dim3A_9, %get3A_898 : vector<16xi1>, vector<16xf32>
        %eq3A_905 = arith.cmpi eq, %add3A_902, %min3A_255 : vector<16xi32>
        %select_n3A_906 = arith.select %eq3A_905, %broadcast_in_dim3A_9, %select_n3A_904 : vector<16xi1>, vector<16xf32>
        %eq3A_907 = arith.cmpi eq, %add3A_902, %min3A_381 : vector<16xi32>
        %select_n3A_908 = arith.select %eq3A_907, %broadcast_in_dim3A_9, %select_n3A_906 : vector<16xi1>, vector<16xf32>
        %eq3A_909 = arith.cmpi eq, %add3A_902, %min3A_507 : vector<16xi32>
        %select_n3A_910 = arith.select %eq3A_909, %broadcast_in_dim3A_9, %select_n3A_908 : vector<16xi1>, vector<16xf32>
        %eq3A_911 = arith.cmpi eq, %add3A_902, %min3A_633 : vector<16xi32>
        %select_n3A_912 = arith.select %eq3A_911, %broadcast_in_dim3A_9, %select_n3A_910 : vector<16xi1>, vector<16xf32>
        %eq3A_913 = arith.cmpi eq, %add3A_902, %min3A_759 : vector<16xi32>
        %select_n3A_914 = arith.select %eq3A_913, %broadcast_in_dim3A_9, %select_n3A_912 : vector<16xi1>, vector<16xf32>
        %max3A_915 = arith.maximumf %scan3A_894, %select_n3A_914 : vector<16xf32>
        scf.yield %max3A_915 : vector<16xf32>
      }
      %scan3A_765 = arith.constant 128 : i32
      %xor3A_766 = arith.constant 1 : i32
      %xor3A_767 = vector.broadcast %xor3A_766 : i32 to vector<16xi32>
      %xor3A_768 = arith.xori %iota3A, %xor3A_767 : vector<16xi32>
      %lt3A_769 = arith.constant 0 : i32
      %lt3A_770 = vector.broadcast %lt3A_769 : i32 to vector<16xi32>
      %lt3A_771 = arith.cmpi slt, %xor3A_768, %lt3A_770 : vector<16xi32>
      %add3A_772 = arith.constant 16 : i32
      %add3A_773 = vector.broadcast %add3A_772 : i32 to vector<16xi32>
      %add3A_774 = arith.addi %xor3A_768, %add3A_773 : vector<16xi32>
      %select_n3A_775 = arith.select %lt3A_771, %add3A_774, %xor3A_768 : vector<16xi1>, vector<16xi32>
      %broadcast_in_dim3A_776 = vector.shape_cast %select_n3A_775 : vector<16xi32> to vector<16x1xi32>
      %gather3A_777 = vector.shape_cast %broadcast_in_dim3A_776 : vector<16x1xi32> to vector<16xi32>
      %gather3A_778 = tpu.dynamic_gather %scan3A_764[%gather3A_777] in [0] : vector<16xf32>, vector<16xi32> -> vector<16xf32>
      %max3A_779 = arith.maximumf %scan3A_764, %gather3A_778 : vector<16xf32>
      %xor3A_780 = arith.constant 2 : i32
      %xor3A_781 = vector.broadcast %xor3A_780 : i32 to vector<16xi32>
      %xor3A_782 = arith.xori %iota3A, %xor3A_781 : vector<16xi32>
      %lt3A_783 = arith.constant 0 : i32
      %lt3A_784 = vector.broadcast %lt3A_783 : i32 to vector<16xi32>
      %lt3A_785 = arith.cmpi slt, %xor3A_782, %lt3A_784 : vector<16xi32>
      %add3A_786 = arith.constant 16 : i32
      %add3A_787 = vector.broadcast %add3A_786 : i32 to vector<16xi32>
      %add3A_788 = arith.addi %xor3A_782, %add3A_787 : vector<16xi32>
      %select_n3A_789 = arith.select %lt3A_785, %add3A_788, %xor3A_782 : vector<16xi1>, vector<16xi32>
      %broadcast_in_dim3A_790 = vector.shape_cast %select_n3A_789 : vector<16xi32> to vector<16x1xi32>
      %gather3A_791 = vector.shape_cast %broadcast_in_dim3A_790 : vector<16x1xi32> to vector<16xi32>
      %gather3A_792 = tpu.dynamic_gather %max3A_779[%gather3A_791] in [0] : vector<16xf32>, vector<16xi32> -> vector<16xf32>
      %max3A_793 = arith.maximumf %max3A_779, %gather3A_792 : vector<16xf32>
      %xor3A_794 = arith.constant 4 : i32
      %xor3A_795 = vector.broadcast %xor3A_794 : i32 to vector<16xi32>
      %xor3A_796 = arith.xori %iota3A, %xor3A_795 : vector<16xi32>
      %lt3A_797 = arith.constant 0 : i32
      %lt3A_798 = vector.broadcast %lt3A_797 : i32 to vector<16xi32>
      %lt3A_799 = arith.cmpi slt, %xor3A_796, %lt3A_798 : vector<16xi32>
      %add3A_800 = arith.constant 16 : i32
      %add3A_801 = vector.broadcast %add3A_800 : i32 to vector<16xi32>
      %add3A_802 = arith.addi %xor3A_796, %add3A_801 : vector<16xi32>
      %select_n3A_803 = arith.select %lt3A_799, %add3A_802, %xor3A_796 : vector<16xi1>, vector<16xi32>
      %broadcast_in_dim3A_804 = vector.shape_cast %select_n3A_803 : vector<16xi32> to vector<16x1xi32>
      %gather3A_805 = vector.shape_cast %broadcast_in_dim3A_804 : vector<16x1xi32> to vector<16xi32>
      %gather3A_806 = tpu.dynamic_gather %max3A_793[%gather3A_805] in [0] : vector<16xf32>, vector<16xi32> -> vector<16xf32>
      %max3A_807 = arith.maximumf %max3A_793, %gather3A_806 : vector<16xf32>
      %xor3A_808 = arith.constant 8 : i32
      %xor3A_809 = vector.broadcast %xor3A_808 : i32 to vector<16xi32>
      %xor3A_810 = arith.xori %iota3A, %xor3A_809 : vector<16xi32>
      %lt3A_811 = arith.constant 0 : i32
      %lt3A_812 = vector.broadcast %lt3A_811 : i32 to vector<16xi32>
      %lt3A_813 = arith.cmpi slt, %xor3A_810, %lt3A_812 : vector<16xi32>
      %add3A_814 = arith.constant 16 : i32
      %add3A_815 = vector.broadcast %add3A_814 : i32 to vector<16xi32>
      %add3A_816 = arith.addi %xor3A_810, %add3A_815 : vector<16xi32>
      %select_n3A_817 = arith.select %lt3A_813, %add3A_816, %xor3A_810 : vector<16xi1>, vector<16xi32>
      %broadcast_in_dim3A_818 = vector.shape_cast %select_n3A_817 : vector<16xi32> to vector<16x1xi32>
      %gather3A_819 = vector.shape_cast %broadcast_in_dim3A_818 : vector<16x1xi32> to vector<16xi32>
      %gather3A_820 = tpu.dynamic_gather %max3A_807[%gather3A_819] in [0] : vector<16xf32>, vector<16xi32> -> vector<16xf32>
      %max3A_821 = arith.maximumf %max3A_807, %gather3A_820 : vector<16xf32>
      %broadcast_in_dim3A_822 = arith.constant 2048 : i32
      %broadcast_in_dim3A_823 = vector.broadcast %broadcast_in_dim3A_822 : i32 to vector<16xi32>
      %scan3A_824 = arith.constant 0 : i32
      %scan3A_825 = arith.constant 128 : i32
      %scan3A_826 = arith.addi %scan3A_824, %scan3A_825 : i32
      %scan3A_827 = arith.constant 1 : i32
      %scan3A_828 = scf.for %scan3A_893 = %scan3A_824 to %scan3A_826 step %scan3A_827 iter_args(%scan3A_894 = %broadcast_in_dim3A_823) -> (vector<16xi32>)  : i32 {
        %mul3A_895 = arith.constant 16 : i32
        %mul3A_896 = arith.muli %scan3A_893, %mul3A_895 : i32
        %get3A = arith.index_cast %mul3A_896 : i32 to index
        %get3A_897 = tpu.vector_load %arg5[%get3A] {strides = array<i32>} : memref<2048xf32, #tpu.memory_space<vmem>>, vector<16xf32>,
        %get3A_898 = vector.shape_cast %get3A_897 : vector<16xf32> to vector<16xf32>
        %mul3A_899 = arith.constant 16 : i32
        %mul3A_900 = arith.muli %scan3A_893, %mul3A_899 : i32
        %add3A_901 = vector.broadcast %mul3A_900 : i32 to vector<16xi32>
        %add3A_902 = arith.addi %add3A_901, %iota3A : vector<16xi32>
        %eq3A_903 = arith.cmpi eq, %add3A_902, %min3A_129 : vector<16xi32>
        %select_n3A_904 = arith.select %eq3A_903, %broadcast_in_dim3A_9, %get3A_898 : vector<16xi1>, vector<16xf32>
        %eq3A_905 = arith.cmpi eq, %add3A_902, %min3A_255 : vector<16xi32>
        %select_n3A_906 = arith.select %eq3A_905, %broadcast_in_dim3A_9, %select_n3A_904 : vector<16xi1>, vector<16xf32>
        %eq3A_907 = arith.cmpi eq, %add3A_902, %min3A_381 : vector<16xi32>
        %select_n3A_908 = arith.select %eq3A_907, %broadcast_in_dim3A_9, %select_n3A_906 : vector<16xi1>, vector<16xf32>
        %eq3A_909 = arith.cmpi eq, %add3A_902, %min3A_507 : vector<16xi32>
        %select_n3A_910 = arith.select %eq3A_909, %broadcast_in_dim3A_9, %select_n3A_908 : vector<16xi1>, vector<16xf32>
        %eq3A_911 = arith.cmpi eq, %add3A_902, %min3A_633 : vector<16xi32>
        %select_n3A_912 = arith.select %eq3A_911, %broadcast_in_dim3A_9, %select_n3A_910 : vector<16xi1>, vector<16xf32>
        %eq3A_913 = arith.cmpi eq, %add3A_902, %min3A_759 : vector<16xi32>
        %select_n3A_914 = arith.select %eq3A_913, %broadcast_in_dim3A_9, %select_n3A_912 : vector<16xi1>, vector<16xf32>
        %eq3A_915 = arith.cmpf oeq, %select_n3A_914, %max3A_821 : vector<16xf32>
        %mul3A_916 = arith.constant 16 : i32
        %mul3A_917 = arith.muli %scan3A_893, %mul3A_916 : i32
        %add3A_918 = vector.broadcast %mul3A_917 : i32 to vector<16xi32>
        %add3A_919 = arith.addi %add3A_918, %iota3A : vector<16xi32>
        %jit3A = arith.constant 2048 : i32
        %broadcast_in_dim3A_920 = vector.broadcast %jit3A : i32 to vector<16xi32>
        %select_n3A_921 = arith.select %eq3A_915, %add3A_919, %broadcast_in_dim3A_920 : vector<16xi1>, vector<16xi32>
        %min3A_922 = arith.minsi %scan3A_894, %select_n3A_921 : vector<16xi32>
        scf.yield %min3A_922 : vector<16xi32>
      }
      %scan3A_829 = arith.constant 128 : i32
      %xor3A_830 = arith.constant 1 : i32
      %xor3A_831 = vector.broadcast %xor3A_830 : i32 to vector<16xi32>
      %xor3A_832 = arith.xori %iota3A, %xor3A_831 : vector<16xi32>
      %lt3A_833 = arith.constant 0 : i32
      %lt3A_834 = vector.broadcast %lt3A_833 : i32 to vector<16xi32>
      %lt3A_835 = arith.cmpi slt, %xor3A_832, %lt3A_834 : vector<16xi32>
      %add3A_836 = arith.constant 16 : i32
      %add3A_837 = vector.broadcast %add3A_836 : i32 to vector<16xi32>
      %add3A_838 = arith.addi %xor3A_832, %add3A_837 : vector<16xi32>
      %select_n3A_839 = arith.select %lt3A_835, %add3A_838, %xor3A_832 : vector<16xi1>, vector<16xi32>
      %broadcast_in_dim3A_840 = vector.shape_cast %select_n3A_839 : vector<16xi32> to vector<16x1xi32>
      %gather3A_841 = vector.shape_cast %broadcast_in_dim3A_840 : vector<16x1xi32> to vector<16xi32>
      %gather3A_842 = tpu.dynamic_gather %scan3A_828[%gather3A_841] in [0] : vector<16xi32>, vector<16xi32> -> vector<16xi32>
      %min3A_843 = arith.minsi %scan3A_828, %gather3A_842 : vector<16xi32>
      %xor3A_844 = arith.constant 2 : i32
      %xor3A_845 = vector.broadcast %xor3A_844 : i32 to vector<16xi32>
      %xor3A_846 = arith.xori %iota3A, %xor3A_845 : vector<16xi32>
      %lt3A_847 = arith.constant 0 : i32
      %lt3A_848 = vector.broadcast %lt3A_847 : i32 to vector<16xi32>
      %lt3A_849 = arith.cmpi slt, %xor3A_846, %lt3A_848 : vector<16xi32>
      %add3A_850 = arith.constant 16 : i32
      %add3A_851 = vector.broadcast %add3A_850 : i32 to vector<16xi32>
      %add3A_852 = arith.addi %xor3A_846, %add3A_851 : vector<16xi32>
      %select_n3A_853 = arith.select %lt3A_849, %add3A_852, %xor3A_846 : vector<16xi1>, vector<16xi32>
      %broadcast_in_dim3A_854 = vector.shape_cast %select_n3A_853 : vector<16xi32> to vector<16x1xi32>
      %gather3A_855 = vector.shape_cast %broadcast_in_dim3A_854 : vector<16x1xi32> to vector<16xi32>
      %gather3A_856 = tpu.dynamic_gather %min3A_843[%gather3A_855] in [0] : vector<16xi32>, vector<16xi32> -> vector<16xi32>
      %min3A_857 = arith.minsi %min3A_843, %gather3A_856 : vector<16xi32>
      %xor3A_858 = arith.constant 4 : i32
      %xor3A_859 = vector.broadcast %xor3A_858 : i32 to vector<16xi32>
      %xor3A_860 = arith.xori %iota3A, %xor3A_859 : vector<16xi32>
      %lt3A_861 = arith.constant 0 : i32
      %lt3A_862 = vector.broadcast %lt3A_861 : i32 to vector<16xi32>
      %lt3A_863 = arith.cmpi slt, %xor3A_860, %lt3A_862 : vector<16xi32>
      %add3A_864 = arith.constant 16 : i32
      %add3A_865 = vector.broadcast %add3A_864 : i32 to vector<16xi32>
      %add3A_866 = arith.addi %xor3A_860, %add3A_865 : vector<16xi32>
      %select_n3A_867 = arith.select %lt3A_863, %add3A_866, %xor3A_860 : vector<16xi1>, vector<16xi32>
      %broadcast_in_dim3A_868 = vector.shape_cast %select_n3A_867 : vector<16xi32> to vector<16x1xi32>
      %gather3A_869 = vector.shape_cast %broadcast_in_dim3A_868 : vector<16x1xi32> to vector<16xi32>
      %gather3A_870 = tpu.dynamic_gather %min3A_857[%gather3A_869] in [0] : vector<16xi32>, vector<16xi32> -> vector<16xi32>
      %min3A_871 = arith.minsi %min3A_857, %gather3A_870 : vector<16xi32>
      %xor3A_872 = arith.constant 8 : i32
      %xor3A_873 = vector.broadcast %xor3A_872 : i32 to vector<16xi32>
      %xor3A_874 = arith.xori %iota3A, %xor3A_873 : vector<16xi32>
      %lt3A_875 = arith.constant 0 : i32
      %lt3A_876 = vector.broadcast %lt3A_875 : i32 to vector<16xi32>
      %lt3A_877 = arith.cmpi slt, %xor3A_874, %lt3A_876 : vector<16xi32>
      %add3A_878 = arith.constant 16 : i32
      %add3A_879 = vector.broadcast %add3A_878 : i32 to vector<16xi32>
      %add3A_880 = arith.addi %xor3A_874, %add3A_879 : vector<16xi32>
      %select_n3A_881 = arith.select %lt3A_877, %add3A_880, %xor3A_874 : vector<16xi1>, vector<16xi32>
      %broadcast_in_dim3A_882 = vector.shape_cast %select_n3A_881 : vector<16xi32> to vector<16x1xi32>
      %gather3A_883 = vector.shape_cast %broadcast_in_dim3A_882 : vector<16x1xi32> to vector<16xi32>
      %gather3A_884 = tpu.dynamic_gather %min3A_871[%gather3A_883] in [0] : vector<16xi32>, vector<16xi32> -> vector<16xi32>
      %min3A_885 = arith.minsi %min3A_871, %gather3A_884 : vector<16xi32>
      %scan3A_886 = arith.constant 0 : i32
      %scan3A_887 = arith.constant 0 : i32
      %scan3A_888 = arith.constant 128 : i32
      %scan3A_889 = arith.addi %scan3A_887, %scan3A_888 : i32
      %scan3A_890 = arith.constant 1 : i32
      %scan3A_891 = scf.for %scan3A_893 = %scan3A_887 to %scan3A_889 step %scan3A_890 iter_args(%scan3A_894 = %scan3A_886) -> (i32)  : i32 {
        %mul3A_895 = arith.constant 16 : i32
        %mul3A_896 = arith.muli %scan3A_893, %mul3A_895 : i32
        %add3A_897 = vector.broadcast %mul3A_896 : i32 to vector<16xi32>
        %add3A_898 = arith.addi %add3A_897, %iota3A : vector<16xi32>
        %broadcast_in_dim3A_899 = arith.constant 1.000000e+00 : f32
        %broadcast_in_dim3A_900 = vector.broadcast %broadcast_in_dim3A_899 : f32 to vector<16xf32>
        %eq3A_901 = arith.cmpi eq, %add3A_898, %min3A_129 : vector<16xi32>
        %convert_element_type3A_902 = arith.sitofp %min3A_129 : vector<16xi32> to vector<16xf32>
        %add3A_903 = arith.constant 1.000000e+00 : f32
        %add3A_904 = vector.broadcast %add3A_903 : f32 to vector<16xf32>
        %add3A_905 = arith.addf %convert_element_type3A_902, %add3A_904 : vector<16xf32>
        %div3A = arith.constant 1.000000e+00 : f32
        %div3A_906 = vector.broadcast %div3A : f32 to vector<16xf32>
        %div3A_907 = arith.divf %div3A_906, %add3A_905 : vector<16xf32>
        %select_n3A_908 = arith.select %eq3A_901, %div3A_907, %broadcast_in_dim3A_900 : vector<16xi1>, vector<16xf32>
        %eq3A_909 = arith.cmpi eq, %add3A_898, %min3A_255 : vector<16xi32>
        %convert_element_type3A_910 = arith.sitofp %min3A_255 : vector<16xi32> to vector<16xf32>
        %add3A_911 = arith.constant 1.000000e+00 : f32
        %add3A_912 = vector.broadcast %add3A_911 : f32 to vector<16xf32>
        %add3A_913 = arith.addf %convert_element_type3A_910, %add3A_912 : vector<16xf32>
        %div3A_914 = arith.constant 1.000000e+00 : f32
        %div3A_915 = vector.broadcast %div3A_914 : f32 to vector<16xf32>
        %div3A_916 = arith.divf %div3A_915, %add3A_913 : vector<16xf32>
        %select_n3A_917 = arith.select %eq3A_909, %div3A_916, %select_n3A_908 : vector<16xi1>, vector<16xf32>
        %eq3A_918 = arith.cmpi eq, %add3A_898, %min3A_381 : vector<16xi32>
        %convert_element_type3A_919 = arith.sitofp %min3A_381 : vector<16xi32> to vector<16xf32>
        %add3A_920 = arith.constant 1.000000e+00 : f32
        %add3A_921 = vector.broadcast %add3A_920 : f32 to vector<16xf32>
        %add3A_922 = arith.addf %convert_element_type3A_919, %add3A_921 : vector<16xf32>
        %div3A_923 = arith.constant 1.000000e+00 : f32
        %div3A_924 = vector.broadcast %div3A_923 : f32 to vector<16xf32>
        %div3A_925 = arith.divf %div3A_924, %add3A_922 : vector<16xf32>
        %select_n3A_926 = arith.select %eq3A_918, %div3A_925, %select_n3A_917 : vector<16xi1>, vector<16xf32>
        %eq3A_927 = arith.cmpi eq, %add3A_898, %min3A_507 : vector<16xi32>
        %convert_element_type3A_928 = arith.sitofp %min3A_507 : vector<16xi32> to vector<16xf32>
        %add3A_929 = arith.constant 1.000000e+00 : f32
        %add3A_930 = vector.broadcast %add3A_929 : f32 to vector<16xf32>
        %add3A_931 = arith.addf %convert_element_type3A_928, %add3A_930 : vector<16xf32>
        %div3A_932 = arith.constant 1.000000e+00 : f32
        %div3A_933 = vector.broadcast %div3A_932 : f32 to vector<16xf32>
        %div3A_934 = arith.divf %div3A_933, %add3A_931 : vector<16xf32>
        %select_n3A_935 = arith.select %eq3A_927, %div3A_934, %select_n3A_926 : vector<16xi1>, vector<16xf32>
        %eq3A_936 = arith.cmpi eq, %add3A_898, %min3A_633 : vector<16xi32>
        %convert_element_type3A_937 = arith.sitofp %min3A_633 : vector<16xi32> to vector<16xf32>
        %add3A_938 = arith.constant 1.000000e+00 : f32
        %add3A_939 = vector.broadcast %add3A_938 : f32 to vector<16xf32>
        %add3A_940 = arith.addf %convert_element_type3A_937, %add3A_939 : vector<16xf32>
        %div3A_941 = arith.constant 1.000000e+00 : f32
        %div3A_942 = vector.broadcast %div3A_941 : f32 to vector<16xf32>
        %div3A_943 = arith.divf %div3A_942, %add3A_940 : vector<16xf32>
        %select_n3A_944 = arith.select %eq3A_936, %div3A_943, %select_n3A_935 : vector<16xi1>, vector<16xf32>
        %eq3A_945 = arith.cmpi eq, %add3A_898, %min3A_759 : vector<16xi32>
        %convert_element_type3A_946 = arith.sitofp %min3A_759 : vector<16xi32> to vector<16xf32>
        %add3A_947 = arith.constant 1.000000e+00 : f32
        %add3A_948 = vector.broadcast %add3A_947 : f32 to vector<16xf32>
        %add3A_949 = arith.addf %convert_element_type3A_946, %add3A_948 : vector<16xf32>
        %div3A_950 = arith.constant 1.000000e+00 : f32
        %div3A_951 = vector.broadcast %div3A_950 : f32 to vector<16xf32>
        %div3A_952 = arith.divf %div3A_951, %add3A_949 : vector<16xf32>
        %select_n3A_953 = arith.select %eq3A_945, %div3A_952, %select_n3A_944 : vector<16xi1>, vector<16xf32>
        %eq3A_954 = arith.cmpi eq, %add3A_898, %min3A_885 : vector<16xi32>
        %convert_element_type3A_955 = arith.sitofp %min3A_885 : vector<16xi32> to vector<16xf32>
        %add3A_956 = arith.constant 1.000000e+00 : f32
        %add3A_957 = vector.broadcast %add3A_956 : f32 to vector<16xf32>
        %add3A_958 = arith.addf %convert_element_type3A_955, %add3A_957 : vector<16xf32>
        %div3A_959 = arith.constant 1.000000e+00 : f32
        %div3A_960 = vector.broadcast %div3A_959 : f32 to vector<16xf32>
        %div3A_961 = arith.divf %div3A_960, %add3A_958 : vector<16xf32>
        %select_n3A_962 = arith.select %eq3A_954, %div3A_961, %select_n3A_953 : vector<16xi1>, vector<16xf32>
        %mul3A_963 = arith.constant 16 : i32
        %mul3A_964 = arith.muli %scan3A_893, %mul3A_963 : i32
        %swap3A = arith.index_cast %mul3A_964 : i32 to index
        %swap3A_965 = tpu.vector_load %arg6[%swap3A] {strides = array<i32>} : memref<2048xf32, #tpu.memory_space<vmem>>, vector<16xf32>,
        %swap3A_966 = vector.shape_cast %swap3A_965 : vector<16xf32> to vector<16xf32>
        %swap3A_967 = vector.shape_cast %select_n3A_962 : vector<16xf32> to vector<16xf32>
        tpu.vector_store %arg6[%swap3A], %swap3A_967 {strides = array<i32>} : memref<2048xf32, #tpu.memory_space<vmem>>, vector<16xf32>,
        %scan3A_968 = arith.constant 0 : i32
        scf.yield %scan3A_968 : i32
      }
      %scan3A_892 = arith.constant 128 : i32
      "tpu.region"() ({
        %run_scoped3A = tpu.sem_alloc : memref<!tpu.dma_semaphore, #tpu.memory_space<semaphore_mem>>
        tpu.enqueue_dma source(%arg6 : memref<2048xf32, #tpu.memory_space<vmem>>) target(%arg3 : memref<2048xf32, #tpu.memory_space<hbm>>) target_semaphore(%run_scoped3A : memref<!tpu.dma_semaphore, #tpu.memory_space<semaphore_mem>>)
        tpu.wait_dma2 semaphore(%run_scoped3A : memref<!tpu.dma_semaphore, #tpu.memory_space<semaphore_mem>>) src(%arg6 : memref<2048xf32, #tpu.memory_space<vmem>>) dst(%arg3 : memref<2048xf32, #tpu.memory_space<hbm>>)
        tpu.yield
      }) : () -> ()
    } else {
    }
    return
  }
}

module attributes {stable_mosaic.version = 14 : i64} {
  func.func @_corr_body(%arg0: i32, %arg1: i32, %arg2: memref<1x1024x1024xf32, #tpu.memory_space<vmem>>, %arg3: memref<1x2048x1024xf32, #tpu.memory_space<vmem>>, %arg4: memref<1x1024x1xf32, #tpu.memory_space<vmem>>) attributes {dimension_semantics = [#tpu.dimension_semantics<arbitrary>, #tpu.dimension_semantics<arbitrary>], iteration_bounds = array<i64: 4, 2>, scalar_prefetch = 0 : i64, scratch_operands = 0 : i64, tpu.core_type = #tpu.core_type<tc>, window_params = [{transform_indices = @transform_0, window_bounds = array<i64: 1, 1024, 1024>}, {transform_indices = @transform_1, window_bounds = array<i64: 1, 2048, 1024>}, {transform_indices = @transform_2, window_bounds = array<i64: 1, 1024, 1>}]} {
    %get3A = arith.constant 0 : index
    %get3A_0 = arith.constant 0 : index
    %get3A_1 = arith.constant 0 : index
    %get3A_2 = vector.load %arg2[%get3A, %get3A_0, %get3A_1] : memref<1x1024x1024xf32, #tpu.memory_space<vmem>>, vector<1x1024x1024xf32>
    %get3A_3 = vector.shape_cast %get3A_2 : vector<1x1024x1024xf32> to vector<1024x1024xf32>
    %get3A_4 = arith.constant 0 : index
    %get3A_5 = arith.constant 0 : index
    %get3A_6 = arith.constant 0 : index
    %get3A_7 = vector.load %arg3[%get3A_4, %get3A_5, %get3A_6] : memref<1x2048x1024xf32, #tpu.memory_space<vmem>>, vector<1x2048x1024xf32>
    %get3A_8 = vector.shape_cast %get3A_7 : vector<1x2048x1024xf32> to vector<2048x1024xf32>
    %dot_general3A = arith.constant dense<0.000000e+00> : vector<1024x2048xf32>
    %dot_general3A_9 = tpu.matmul %get3A_3, %get3A_8, %dot_general3A {dimension_numbers = #tpu.dot_dimension_numbers<[1], [1], [0], [0], [0, 0, 1, 0], [], []>, transpose_lhs_hint = false} : vector<1024x1024xf32>, vector<2048x1024xf32>, vector<1024x2048xf32> -> vector<1024x2048xf32>
    %mul3A = arith.constant 3.125000e-02 : f32
    %mul3A_10 = vector.broadcast %mul3A : f32 to vector<1024x2048xf32>
    %mul3A_11 = arith.mulf %dot_general3A_9, %mul3A_10 : vector<1024x2048xf32>
    %exp3A = math.exp %mul3A_11 : vector<1024x2048xf32>
    %reduce_sum3A = arith.constant dense<0.000000e+00> : vector<1024xf32>
    %reduce_sum3A_12 = vector.multi_reduction <add>, %exp3A, %reduce_sum3A [1] : vector<1024x2048xf32> to vector<1024xf32>
    %broadcast_in_dim3A = vector.shape_cast %reduce_sum3A_12 : vector<1024xf32> to vector<1024x1xf32>
    %log3A = math.log %broadcast_in_dim3A : vector<1024x1xf32>
    %mul3A_13 = arith.constant 1024 : i32
    %mul3A_14 = arith.muli %arg1, %mul3A_13 : i32
    %get3A_15 = arith.constant 0 : index
    %get3A_16 = arith.index_cast %mul3A_14 : i32 to index
    %get3A_17 = arith.constant 0 : index
    %get3A_18 = vector.load %arg3[%get3A_15, %get3A_16, %get3A_17] : memref<1x2048x1024xf32, #tpu.memory_space<vmem>>, vector<1x1024x1024xf32>
    %get3A_19 = vector.shape_cast %get3A_18 : vector<1x1024x1024xf32> to vector<1024x1024xf32>
    %mul3A_20 = arith.mulf %get3A_3, %get3A_19 : vector<1024x1024xf32>
    %reduce_sum3A_21 = arith.constant dense<0.000000e+00> : vector<1024xf32>
    %reduce_sum3A_22 = vector.multi_reduction <add>, %mul3A_20, %reduce_sum3A_21 [1] : vector<1024x1024xf32> to vector<1024xf32>
    %broadcast_in_dim3A_23 = vector.shape_cast %reduce_sum3A_22 : vector<1024xf32> to vector<1024x1xf32>
    %mul3A_24 = arith.constant 3.125000e-02 : f32
    %mul3A_25 = vector.broadcast %mul3A_24 : f32 to vector<1024x1xf32>
    %mul3A_26 = arith.mulf %broadcast_in_dim3A_23, %mul3A_25 : vector<1024x1xf32>
    %sub3A = arith.subf %log3A, %mul3A_26 : vector<1024x1xf32>
    %swap3A = arith.constant 0 : index
    %swap3A_27 = arith.constant 0 : index
    %swap3A_28 = arith.constant 0 : index
    %swap3A_29 = vector.load %arg4[%swap3A, %swap3A_27, %swap3A_28] : memref<1x1024x1xf32, #tpu.memory_space<vmem>>, vector<1x1024x1xf32>
    %swap3A_30 = vector.shape_cast %swap3A_29 : vector<1x1024x1xf32> to vector<1024x1xf32>
    %swap3A_31 = vector.shape_cast %sub3A : vector<1024x1xf32> to vector<1x1024x1xf32>
    tpu.vector_store %arg4[%swap3A, %swap3A_27, %swap3A_28], %swap3A_31 {strides = array<i32>} : memref<1x1024x1xf32, #tpu.memory_space<vmem>>, vector<1x1024x1xf32>,
    return
  }
  func.func @transform_0(%arg0: i32, %arg1: i32) -> (i32, i32, i32) {
    %c0_i32 = arith.constant 0 : i32
    %c0_i32_0 = arith.constant 0 : i32
    return %arg0, %arg1, %c0_i32 : i32, i32, i32
  }
  func.func @transform_1(%arg0: i32, %arg1: i32) -> (i32, i32, i32) {
    %c0_i32 = arith.constant 0 : i32
    %c0_i32_0 = arith.constant 0 : i32
    %c0_i32_1 = arith.constant 0 : i32
    return %arg0, %c0_i32, %c0_i32_0 : i32, i32, i32
  }
  func.func @transform_2(%arg0: i32, %arg1: i32) -> (i32, i32, i32) {
    %c0_i32 = arith.constant 0 : i32
    %c0_i32_0 = arith.constant 0 : i32
    return %arg0, %arg1, %c0_i32 : i32, i32, i32
  }
}

module attributes {stable_mosaic.version = 14 : i64} {
  func.func @_ctx_body(%arg0: i32, %arg1: i32, %arg2: memref<1x1024x1024xf32, #tpu.memory_space<vmem>>, %arg3: memref<1024x1xf32, #tpu.memory_space<vmem>>, %arg4: memref<1x16x1024x64xf32, #tpu.memory_space<vmem>>, %arg5: memref<1x1024xf32, #tpu.memory_space<vmem>>) attributes {dimension_semantics = [#tpu.dimension_semantics<arbitrary>, #tpu.dimension_semantics<arbitrary>], iteration_bounds = array<i64: 4, 2>, scalar_prefetch = 0 : i64, scratch_operands = 1 : i64, tpu.core_type = #tpu.core_type<tc>, window_params = [{transform_indices = @transform_0, window_bounds = array<i64: 1, 1024, 1024>}, {transform_indices = @transform_1, window_bounds = array<i64: 1024, 1>}, {transform_indices = @transform_2, window_bounds = array<i64: 1, 16, 1024, 64>}]} {
    %iota3A = tpu.iota {dimensions = array<i32: 0>} : vector<1024x1024xi32>
    %iota3A_0 = tpu.iota {dimensions = array<i32: 1>} : vector<1024x1024xi32>
    %ge3A = arith.cmpi sge, %iota3A, %iota3A_0 : vector<1024x1024xi32>
    %convert_element_type3A = arith.extui %ge3A : vector<1024x1024xi1> to vector<1024x1024xi32>
    %convert_element_type3A_1 = arith.sitofp %convert_element_type3A : vector<1024x1024xi32> to vector<1024x1024xf32>
    %eq3A = arith.constant 0 : i32
    %eq3A_2 = arith.cmpi eq, %arg1, %eq3A : i32
    %convert_element_type3A_3 = arith.extui %eq3A_2 : i1 to i32
    %cond3A = arith.constant 0 : i32
    %cond3A_4 = arith.cmpi ne, %convert_element_type3A_3, %cond3A : i32
    scf.if %cond3A_4 {
      %broadcast_in_dim3A = arith.constant 0.000000e+00 : f32
      %broadcast_in_dim3A_148 = vector.broadcast %broadcast_in_dim3A : f32 to vector<1x1024xf32>
      %swap3A_149 = arith.constant 0 : index
      %swap3A_150 = arith.constant 0 : index
      %swap3A_151 = vector.load %arg5[%swap3A_149, %swap3A_150] : memref<1x1024xf32, #tpu.memory_space<vmem>>, vector<1x1024xf32>
      tpu.vector_store %arg5[%swap3A_149, %swap3A_150], %broadcast_in_dim3A_148 {strides = array<i32>} : memref<1x1024xf32, #tpu.memory_space<vmem>>, vector<1x1024xf32>,
    } else {
    }
    %get3A = arith.constant 0 : index
    %get3A_5 = arith.constant 0 : index
    %get3A_6 = arith.constant 0 : index
    %get3A_7 = vector.load %arg2[%get3A, %get3A_5, %get3A_6] : memref<1x1024x1024xf32, #tpu.memory_space<vmem>>, vector<1x1024x1024xf32>
    %get3A_8 = vector.shape_cast %get3A_7 : vector<1x1024x1024xf32> to vector<1024x1024xf32>
    %dot_general3A = arith.constant dense<0.000000e+00> : vector<1024x1024xf32>
    %dot_general3A_9 = tpu.matmul %convert_element_type3A_1, %get3A_8, %dot_general3A {dimension_numbers = #tpu.dot_dimension_numbers<[1], [0], [0], [1], [0, 0, 1, 1], [], []>, transpose_lhs_hint = false} : vector<1024x1024xf32>, vector<1024x1024xf32>, vector<1024x1024xf32> -> vector<1024x1024xf32>
    %get3A_10 = arith.constant 0 : index
    %get3A_11 = arith.constant 0 : index
    %get3A_12 = vector.load %arg5[%get3A_10, %get3A_11] : memref<1x1024xf32, #tpu.memory_space<vmem>>, vector<1x1024xf32>
    %add3A = vector.broadcast %get3A_12 : vector<1x1024xf32> to vector<1024x1024xf32>
    %add3A_13 = arith.addf %dot_general3A_9, %add3A : vector<1024x1024xf32>
    %slice3A = vector.extract_strided_slice %add3A_13 {offsets = [1023, 0], sizes = [1, 1024], strides = [1, 1]} : vector<1024x1024xf32> to vector<1x1024xf32>
    %swap3A = arith.constant 0 : index
    %swap3A_14 = arith.constant 0 : index
    %swap3A_15 = vector.load %arg5[%swap3A, %swap3A_14] : memref<1x1024xf32, #tpu.memory_space<vmem>>, vector<1x1024xf32>
    tpu.vector_store %arg5[%swap3A, %swap3A_14], %slice3A {strides = array<i32>} : memref<1x1024xf32, #tpu.memory_space<vmem>>, vector<1x1024xf32>,
    %get3A_16 = arith.constant 0 : index
    %get3A_17 = arith.constant 0 : index
    %get3A_18 = vector.load %arg3[%get3A_16, %get3A_17] : memref<1024x1xf32, #tpu.memory_space<vmem>>, vector<1024x1xf32>
    %mul3A = vector.broadcast %get3A_18 : vector<1024x1xf32> to vector<1024x1024xf32>
    %mul3A_19 = arith.mulf %add3A_13, %mul3A : vector<1024x1024xf32>
    %slice3A_20 = vector.extract_strided_slice %mul3A_19 {offsets = [0, 0], sizes = [1024, 64], strides = [1, 1]} : vector<1024x1024xf32> to vector<1024x64xf32>
    %swap3A_21 = arith.constant 0 : index
    %swap3A_22 = arith.constant 0 : index
    %swap3A_23 = arith.constant 0 : index
    %swap3A_24 = arith.constant 0 : index
    %swap3A_25 = vector.load %arg4[%swap3A_21, %swap3A_22, %swap3A_23, %swap3A_24] : memref<1x16x1024x64xf32, #tpu.memory_space<vmem>>, vector<1x1x1024x64xf32>
    %swap3A_26 = vector.shape_cast %swap3A_25 : vector<1x1x1024x64xf32> to vector<1024x64xf32>
    %swap3A_27 = vector.shape_cast %slice3A_20 : vector<1024x64xf32> to vector<1x1x1024x64xf32>
    tpu.vector_store %arg4[%swap3A_21, %swap3A_22, %swap3A_23, %swap3A_24], %swap3A_27 {strides = array<i32>} : memref<1x16x1024x64xf32, #tpu.memory_space<vmem>>, vector<1x1x1024x64xf32>,
    %slice3A_28 = vector.extract_strided_slice %mul3A_19 {offsets = [0, 64], sizes = [1024, 64], strides = [1, 1]} : vector<1024x1024xf32> to vector<1024x64xf32>
    %swap3A_29 = arith.constant 0 : index
    %swap3A_30 = arith.constant 1 : index
    %swap3A_31 = arith.constant 0 : index
    %swap3A_32 = arith.constant 0 : index
    %swap3A_33 = vector.load %arg4[%swap3A_29, %swap3A_30, %swap3A_31, %swap3A_32] : memref<1x16x1024x64xf32, #tpu.memory_space<vmem>>, vector<1x1x1024x64xf32>
    %swap3A_34 = vector.shape_cast %swap3A_33 : vector<1x1x1024x64xf32> to vector<1024x64xf32>
    %swap3A_35 = vector.shape_cast %slice3A_28 : vector<1024x64xf32> to vector<1x1x1024x64xf32>
    tpu.vector_store %arg4[%swap3A_29, %swap3A_30, %swap3A_31, %swap3A_32], %swap3A_35 {strides = array<i32>} : memref<1x16x1024x64xf32, #tpu.memory_space<vmem>>, vector<1x1x1024x64xf32>,
    %slice3A_36 = vector.extract_strided_slice %mul3A_19 {offsets = [0, 128], sizes = [1024, 64], strides = [1, 1]} : vector<1024x1024xf32> to vector<1024x64xf32>
    %swap3A_37 = arith.constant 0 : index
    %swap3A_38 = arith.constant 2 : index
    %swap3A_39 = arith.constant 0 : index
    %swap3A_40 = arith.constant 0 : index
    %swap3A_41 = vector.load %arg4[%swap3A_37, %swap3A_38, %swap3A_39, %swap3A_40] : memref<1x16x1024x64xf32, #tpu.memory_space<vmem>>, vector<1x1x1024x64xf32>
    %swap3A_42 = vector.shape_cast %swap3A_41 : vector<1x1x1024x64xf32> to vector<1024x64xf32>
    %swap3A_43 = vector.shape_cast %slice3A_36 : vector<1024x64xf32> to vector<1x1x1024x64xf32>
    tpu.vector_store %arg4[%swap3A_37, %swap3A_38, %swap3A_39, %swap3A_40], %swap3A_43 {strides = array<i32>} : memref<1x16x1024x64xf32, #tpu.memory_space<vmem>>, vector<1x1x1024x64xf32>,
    %slice3A_44 = vector.extract_strided_slice %mul3A_19 {offsets = [0, 192], sizes = [1024, 64], strides = [1, 1]} : vector<1024x1024xf32> to vector<1024x64xf32>
    %swap3A_45 = arith.constant 0 : index
    %swap3A_46 = arith.constant 3 : index
    %swap3A_47 = arith.constant 0 : index
    %swap3A_48 = arith.constant 0 : index
    %swap3A_49 = vector.load %arg4[%swap3A_45, %swap3A_46, %swap3A_47, %swap3A_48] : memref<1x16x1024x64xf32, #tpu.memory_space<vmem>>, vector<1x1x1024x64xf32>
    %swap3A_50 = vector.shape_cast %swap3A_49 : vector<1x1x1024x64xf32> to vector<1024x64xf32>
    %swap3A_51 = vector.shape_cast %slice3A_44 : vector<1024x64xf32> to vector<1x1x1024x64xf32>
    tpu.vector_store %arg4[%swap3A_45, %swap3A_46, %swap3A_47, %swap3A_48], %swap3A_51 {strides = array<i32>} : memref<1x16x1024x64xf32, #tpu.memory_space<vmem>>, vector<1x1x1024x64xf32>,
    %slice3A_52 = vector.extract_strided_slice %mul3A_19 {offsets = [0, 256], sizes = [1024, 64], strides = [1, 1]} : vector<1024x1024xf32> to vector<1024x64xf32>
    %swap3A_53 = arith.constant 0 : index
    %swap3A_54 = arith.constant 4 : index
    %swap3A_55 = arith.constant 0 : index
    %swap3A_56 = arith.constant 0 : index
    %swap3A_57 = vector.load %arg4[%swap3A_53, %swap3A_54, %swap3A_55, %swap3A_56] : memref<1x16x1024x64xf32, #tpu.memory_space<vmem>>, vector<1x1x1024x64xf32>
    %swap3A_58 = vector.shape_cast %swap3A_57 : vector<1x1x1024x64xf32> to vector<1024x64xf32>
    %swap3A_59 = vector.shape_cast %slice3A_52 : vector<1024x64xf32> to vector<1x1x1024x64xf32>
    tpu.vector_store %arg4[%swap3A_53, %swap3A_54, %swap3A_55, %swap3A_56], %swap3A_59 {strides = array<i32>} : memref<1x16x1024x64xf32, #tpu.memory_space<vmem>>, vector<1x1x1024x64xf32>,
    %slice3A_60 = vector.extract_strided_slice %mul3A_19 {offsets = [0, 320], sizes = [1024, 64], strides = [1, 1]} : vector<1024x1024xf32> to vector<1024x64xf32>
    %swap3A_61 = arith.constant 0 : index
    %swap3A_62 = arith.constant 5 : index
    %swap3A_63 = arith.constant 0 : index
    %swap3A_64 = arith.constant 0 : index
    %swap3A_65 = vector.load %arg4[%swap3A_61, %swap3A_62, %swap3A_63, %swap3A_64] : memref<1x16x1024x64xf32, #tpu.memory_space<vmem>>, vector<1x1x1024x64xf32>
    %swap3A_66 = vector.shape_cast %swap3A_65 : vector<1x1x1024x64xf32> to vector<1024x64xf32>
    %swap3A_67 = vector.shape_cast %slice3A_60 : vector<1024x64xf32> to vector<1x1x1024x64xf32>
    tpu.vector_store %arg4[%swap3A_61, %swap3A_62, %swap3A_63, %swap3A_64], %swap3A_67 {strides = array<i32>} : memref<1x16x1024x64xf32, #tpu.memory_space<vmem>>, vector<1x1x1024x64xf32>,
    %slice3A_68 = vector.extract_strided_slice %mul3A_19 {offsets = [0, 384], sizes = [1024, 64], strides = [1, 1]} : vector<1024x1024xf32> to vector<1024x64xf32>
    %swap3A_69 = arith.constant 0 : index
    %swap3A_70 = arith.constant 6 : index
    %swap3A_71 = arith.constant 0 : index
    %swap3A_72 = arith.constant 0 : index
    %swap3A_73 = vector.load %arg4[%swap3A_69, %swap3A_70, %swap3A_71, %swap3A_72] : memref<1x16x1024x64xf32, #tpu.memory_space<vmem>>, vector<1x1x1024x64xf32>
    %swap3A_74 = vector.shape_cast %swap3A_73 : vector<1x1x1024x64xf32> to vector<1024x64xf32>
    %swap3A_75 = vector.shape_cast %slice3A_68 : vector<1024x64xf32> to vector<1x1x1024x64xf32>
    tpu.vector_store %arg4[%swap3A_69, %swap3A_70, %swap3A_71, %swap3A_72], %swap3A_75 {strides = array<i32>} : memref<1x16x1024x64xf32, #tpu.memory_space<vmem>>, vector<1x1x1024x64xf32>,
    %slice3A_76 = vector.extract_strided_slice %mul3A_19 {offsets = [0, 448], sizes = [1024, 64], strides = [1, 1]} : vector<1024x1024xf32> to vector<1024x64xf32>
    %swap3A_77 = arith.constant 0 : index
    %swap3A_78 = arith.constant 7 : index
    %swap3A_79 = arith.constant 0 : index
    %swap3A_80 = arith.constant 0 : index
    %swap3A_81 = vector.load %arg4[%swap3A_77, %swap3A_78, %swap3A_79, %swap3A_80] : memref<1x16x1024x64xf32, #tpu.memory_space<vmem>>, vector<1x1x1024x64xf32>
    %swap3A_82 = vector.shape_cast %swap3A_81 : vector<1x1x1024x64xf32> to vector<1024x64xf32>
    %swap3A_83 = vector.shape_cast %slice3A_76 : vector<1024x64xf32> to vector<1x1x1024x64xf32>
    tpu.vector_store %arg4[%swap3A_77, %swap3A_78, %swap3A_79, %swap3A_80], %swap3A_83 {strides = array<i32>} : memref<1x16x1024x64xf32, #tpu.memory_space<vmem>>, vector<1x1x1024x64xf32>,
    %slice3A_84 = vector.extract_strided_slice %mul3A_19 {offsets = [0, 512], sizes = [1024, 64], strides = [1, 1]} : vector<1024x1024xf32> to vector<1024x64xf32>
    %swap3A_85 = arith.constant 0 : index
    %swap3A_86 = arith.constant 8 : index
    %swap3A_87 = arith.constant 0 : index
    %swap3A_88 = arith.constant 0 : index
    %swap3A_89 = vector.load %arg4[%swap3A_85, %swap3A_86, %swap3A_87, %swap3A_88] : memref<1x16x1024x64xf32, #tpu.memory_space<vmem>>, vector<1x1x1024x64xf32>
    %swap3A_90 = vector.shape_cast %swap3A_89 : vector<1x1x1024x64xf32> to vector<1024x64xf32>
    %swap3A_91 = vector.shape_cast %slice3A_84 : vector<1024x64xf32> to vector<1x1x1024x64xf32>
    tpu.vector_store %arg4[%swap3A_85, %swap3A_86, %swap3A_87, %swap3A_88], %swap3A_91 {strides = array<i32>} : memref<1x16x1024x64xf32, #tpu.memory_space<vmem>>, vector<1x1x1024x64xf32>,
    %slice3A_92 = vector.extract_strided_slice %mul3A_19 {offsets = [0, 576], sizes = [1024, 64], strides = [1, 1]} : vector<1024x1024xf32> to vector<1024x64xf32>
    %swap3A_93 = arith.constant 0 : index
    %swap3A_94 = arith.constant 9 : index
    %swap3A_95 = arith.constant 0 : index
    %swap3A_96 = arith.constant 0 : index
    %swap3A_97 = vector.load %arg4[%swap3A_93, %swap3A_94, %swap3A_95, %swap3A_96] : memref<1x16x1024x64xf32, #tpu.memory_space<vmem>>, vector<1x1x1024x64xf32>
    %swap3A_98 = vector.shape_cast %swap3A_97 : vector<1x1x1024x64xf32> to vector<1024x64xf32>
    %swap3A_99 = vector.shape_cast %slice3A_92 : vector<1024x64xf32> to vector<1x1x1024x64xf32>
    tpu.vector_store %arg4[%swap3A_93, %swap3A_94, %swap3A_95, %swap3A_96], %swap3A_99 {strides = array<i32>} : memref<1x16x1024x64xf32, #tpu.memory_space<vmem>>, vector<1x1x1024x64xf32>,
    %slice3A_100 = vector.extract_strided_slice %mul3A_19 {offsets = [0, 640], sizes = [1024, 64], strides = [1, 1]} : vector<1024x1024xf32> to vector<1024x64xf32>
    %swap3A_101 = arith.constant 0 : index
    %swap3A_102 = arith.constant 10 : index
    %swap3A_103 = arith.constant 0 : index
    %swap3A_104 = arith.constant 0 : index
    %swap3A_105 = vector.load %arg4[%swap3A_101, %swap3A_102, %swap3A_103, %swap3A_104] : memref<1x16x1024x64xf32, #tpu.memory_space<vmem>>, vector<1x1x1024x64xf32>
    %swap3A_106 = vector.shape_cast %swap3A_105 : vector<1x1x1024x64xf32> to vector<1024x64xf32>
    %swap3A_107 = vector.shape_cast %slice3A_100 : vector<1024x64xf32> to vector<1x1x1024x64xf32>
    tpu.vector_store %arg4[%swap3A_101, %swap3A_102, %swap3A_103, %swap3A_104], %swap3A_107 {strides = array<i32>} : memref<1x16x1024x64xf32, #tpu.memory_space<vmem>>, vector<1x1x1024x64xf32>,
    %slice3A_108 = vector.extract_strided_slice %mul3A_19 {offsets = [0, 704], sizes = [1024, 64], strides = [1, 1]} : vector<1024x1024xf32> to vector<1024x64xf32>
    %swap3A_109 = arith.constant 0 : index
    %swap3A_110 = arith.constant 11 : index
    %swap3A_111 = arith.constant 0 : index
    %swap3A_112 = arith.constant 0 : index
    %swap3A_113 = vector.load %arg4[%swap3A_109, %swap3A_110, %swap3A_111, %swap3A_112] : memref<1x16x1024x64xf32, #tpu.memory_space<vmem>>, vector<1x1x1024x64xf32>
    %swap3A_114 = vector.shape_cast %swap3A_113 : vector<1x1x1024x64xf32> to vector<1024x64xf32>
    %swap3A_115 = vector.shape_cast %slice3A_108 : vector<1024x64xf32> to vector<1x1x1024x64xf32>
    tpu.vector_store %arg4[%swap3A_109, %swap3A_110, %swap3A_111, %swap3A_112], %swap3A_115 {strides = array<i32>} : memref<1x16x1024x64xf32, #tpu.memory_space<vmem>>, vector<1x1x1024x64xf32>,
    %slice3A_116 = vector.extract_strided_slice %mul3A_19 {offsets = [0, 768], sizes = [1024, 64], strides = [1, 1]} : vector<1024x1024xf32> to vector<1024x64xf32>
    %swap3A_117 = arith.constant 0 : index
    %swap3A_118 = arith.constant 12 : index
    %swap3A_119 = arith.constant 0 : index
    %swap3A_120 = arith.constant 0 : index
    %swap3A_121 = vector.load %arg4[%swap3A_117, %swap3A_118, %swap3A_119, %swap3A_120] : memref<1x16x1024x64xf32, #tpu.memory_space<vmem>>, vector<1x1x1024x64xf32>
    %swap3A_122 = vector.shape_cast %swap3A_121 : vector<1x1x1024x64xf32> to vector<1024x64xf32>
    %swap3A_123 = vector.shape_cast %slice3A_116 : vector<1024x64xf32> to vector<1x1x1024x64xf32>
    tpu.vector_store %arg4[%swap3A_117, %swap3A_118, %swap3A_119, %swap3A_120], %swap3A_123 {strides = array<i32>} : memref<1x16x1024x64xf32, #tpu.memory_space<vmem>>, vector<1x1x1024x64xf32>,
    %slice3A_124 = vector.extract_strided_slice %mul3A_19 {offsets = [0, 832], sizes = [1024, 64], strides = [1, 1]} : vector<1024x1024xf32> to vector<1024x64xf32>
    %swap3A_125 = arith.constant 0 : index
    %swap3A_126 = arith.constant 13 : index
    %swap3A_127 = arith.constant 0 : index
    %swap3A_128 = arith.constant 0 : index
    %swap3A_129 = vector.load %arg4[%swap3A_125, %swap3A_126, %swap3A_127, %swap3A_128] : memref<1x16x1024x64xf32, #tpu.memory_space<vmem>>, vector<1x1x1024x64xf32>
    %swap3A_130 = vector.shape_cast %swap3A_129 : vector<1x1x1024x64xf32> to vector<1024x64xf32>
    %swap3A_131 = vector.shape_cast %slice3A_124 : vector<1024x64xf32> to vector<1x1x1024x64xf32>
    tpu.vector_store %arg4[%swap3A_125, %swap3A_126, %swap3A_127, %swap3A_128], %swap3A_131 {strides = array<i32>} : memref<1x16x1024x64xf32, #tpu.memory_space<vmem>>, vector<1x1x1024x64xf32>,
    %slice3A_132 = vector.extract_strided_slice %mul3A_19 {offsets = [0, 896], sizes = [1024, 64], strides = [1, 1]} : vector<1024x1024xf32> to vector<1024x64xf32>
    %swap3A_133 = arith.constant 0 : index
    %swap3A_134 = arith.constant 14 : index
    %swap3A_135 = arith.constant 0 : index
    %swap3A_136 = arith.constant 0 : index
    %swap3A_137 = vector.load %arg4[%swap3A_133, %swap3A_134, %swap3A_135, %swap3A_136] : memref<1x16x1024x64xf32, #tpu.memory_space<vmem>>, vector<1x1x1024x64xf32>
    %swap3A_138 = vector.shape_cast %swap3A_137 : vector<1x1x1024x64xf32> to vector<1024x64xf32>
    %swap3A_139 = vector.shape_cast %slice3A_132 : vector<1024x64xf32> to vector<1x1x1024x64xf32>
    tpu.vector_store %arg4[%swap3A_133, %swap3A_134, %swap3A_135, %swap3A_136], %swap3A_139 {strides = array<i32>} : memref<1x16x1024x64xf32, #tpu.memory_space<vmem>>, vector<1x1x1024x64xf32>,
    %slice3A_140 = vector.extract_strided_slice %mul3A_19 {offsets = [0, 960], sizes = [1024, 64], strides = [1, 1]} : vector<1024x1024xf32> to vector<1024x64xf32>
    %swap3A_141 = arith.constant 0 : index
    %swap3A_142 = arith.constant 15 : index
    %swap3A_143 = arith.constant 0 : index
    %swap3A_144 = arith.constant 0 : index
    %swap3A_145 = vector.load %arg4[%swap3A_141, %swap3A_142, %swap3A_143, %swap3A_144] : memref<1x16x1024x64xf32, #tpu.memory_space<vmem>>, vector<1x1x1024x64xf32>
    %swap3A_146 = vector.shape_cast %swap3A_145 : vector<1x1x1024x64xf32> to vector<1024x64xf32>
    %swap3A_147 = vector.shape_cast %slice3A_140 : vector<1024x64xf32> to vector<1x1x1024x64xf32>
    tpu.vector_store %arg4[%swap3A_141, %swap3A_142, %swap3A_143, %swap3A_144], %swap3A_147 {strides = array<i32>} : memref<1x16x1024x64xf32, #tpu.memory_space<vmem>>, vector<1x1x1024x64xf32>,
    return
  }
  func.func @transform_0(%arg0: i32, %arg1: i32) -> (i32, i32, i32) {
    %c0_i32 = arith.constant 0 : i32
    %c0_i32_0 = arith.constant 0 : i32
    return %arg0, %arg1, %c0_i32 : i32, i32, i32
  }
  func.func @transform_1(%arg0: i32, %arg1: i32) -> (i32, i32) {
    %c0_i32 = arith.constant 0 : i32
    %c0_i32_0 = arith.constant 0 : i32
    return %arg1, %c0_i32 : i32, i32
  }
  func.func @transform_2(%arg0: i32, %arg1: i32) -> (i32, i32, i32, i32) {
    %c0_i32 = arith.constant 0 : i32
    %c0_i32_0 = arith.constant 0 : i32
    %c0_i32_1 = arith.constant 0 : i32
    return %arg0, %c0_i32, %arg1, %c0_i32_0 : i32, i32, i32, i32
  }
}

</mosaic_0001>

<sc_bundles>
// kernel: kernel.5.cloned.1.call-start
scs
__scs_entry_jumppad:
0x0: {  	(pc) =	sbr.rel $0x88, $3  }
0x1: {  	(tag) =	ssettag $0x0;
	lr =	simm.s32 $0x1  }
0x2: {  	[smem:$0x3F9E] =	sst lr;
	_ =	strace $0xD0000000  }
0x3: {  	_ = 	snop  }
0x4: {  	_ = 	snop  }
0x5: {  	_ = 	snop  }
0x6: {  	_ = 	snop  }
0x7: {  	_ = 	snop  }
__scs_overlays_trampoline_lowered:
0x8: {  	[smem:$0x3FAD] =	sst s0  }
0x9: {  	[smem:$0x3FAE] =	sst s1  }
0xa: {  	[smem:$0x3FAF] =	sst s2  }
0xb: {  	[smem:$0x3FB0] =	sst s3  }
0xc: {  	[smem:$0x3FB1] =	sst s4  }
0xd: {  	[smem:$0x3FB2] =	sst s5  }
0xe: {  	[smem:$0x3FB3] =	sst s6  }
0xf: {  	[smem:$0x3FB4] =	sst s7  }
0x10: {  	[smem:$0x3FB5] =	sst s8  }
0x11: {  	[smem:$0x3FB6] =	sst s9;
	s0 =	simm.s32 @!p0 $0x0  }
0x12: {  	s1 =	sld [smem:$0x3F9C];
	s0 =	simm.s32 @p0 $0x1  }
0x13: {  	[smem:$0x3FB7] =	sst s0;
	s0 =	simm.s32 @!p1 $0x0  }
0x14: {  	s2 =	sld [smem:$0x3F9B];
	s0 =	simm.s32 @p1 $0x1  }
0x15: {  	[smem:$0x3FB8] =	sst s0;
	s0 =	simm.s32 @!p2 $0x0  }
0x16: {  	s3 =	sld [smem:$0x3FDB];
	s0 =	simm.s32 @p2 $0x1  }
0x17: {  	s4 =	simm.s32 $0x1BF5;
	[smem:$0x3FBA] =	sst s0  }
0x18: {  	s0 =	sld [smem:$0x3F9D];
	_ =	swait.ge [sflag:s4], $0x0  }
0x19: {  	s7 =	sld [smem:$0x3F9E]  }
0x1a: {  	s8 =	sadd.s32 $0xFFFFE003, lr  }
0x1b: {  	s9 =	sadd.s32 $0xFFFFFEF7, lr;
	s5 =	simm.s32 $0xFFFFFFFF;
	p2 =	slt.u32 s8, $0xFFFFF086  }
0x1c: {  	p1 =	slt.u32 s9, $0xF7A;
	s5 =	simm.s32 @!p2 $0x0  }
0x1d: {  	s5 =	simm.s32 @p1 $0x1;
	p0 =	seq.s32 s7, s2  }
0x1e: {  	s7 =	smul.u32 @!p0 $0xF7A, s2;
	p2 =	seq.s32 @!p0 s5, $0x0  }
0x1f: {  	s9 =	smul.u32 $0xF7A, s1;
	s8 =	simm.s32 @!p0 $0x1BF5;
	p2 =	por !p2, p0  }
0x20: {  	[sflag:s8] =	ssyncset.s32 @!p0 $0xFFFFF086;
	s6 =	sadd.s32 @!p0 s3, s7;
	s7 =	simm.s32 @!p0 $0x108  }
0x21: {  	s3 =	sadd.s32 s3, s9;
	s6 =	sadd.s32 @!p0 $0x88, s6;
	s7 =	simm.s32 @p2 $0x1082  }
0x22: {  	[simem:s7], [sflag:s8] =	dma.local @!p0 [hbm:s6], $0xF7A  }
0x23: {  	s9 =	sor.u32 $0xD0000000, s2;
	s6 =	simm.s32 $0x108;
	_ =	swait.ge @!p0 [sflag:s8], $0x0  }
0x24: {  	s3 =	sadd.s32 $0x88, s3;
	s6 =	simm.s32 @!p1 $0x1082;
	[sflag:s4] =	ssyncset.s32 $0xFFFFF086  }
0x25: {  	[simem:s6], [sflag:s4] =	dma.local [hbm:s3], $0xF7A  }
0x26: {  	[smem:$0x3F9E] =	sst s1;
	(tag) =	ssettag s2;
	_ =	strace s9  }
0x27: {  	s1 =	sld [smem:$0x3FAE]  }
0x28: {  	s2 =	sld [smem:$0x3FAF]  }
0x29: {  	s4 =	sld [smem:$0x3FB1]  }
0x2a: {  	p0 =	seq.s32 s5, $0x0;
	s5 =	sld [smem:$0x3FB2]  }
0x2b: {  	s6 =	sld [smem:$0x3FB3]  }
0x2c: {  	s7 =	sld [smem:$0x3FB4]  }
0x2d: {  	s3 =	simm.s32 $0x108;
	s8 =	sld [smem:$0x3FB5]  }
0x2e: {  	s3 =	simm.s32 @!p0 $0x1082;
	s9 =	sld [smem:$0x3FB6]  }
0x2f: {  	lr =	sadd.s32 s0, s3;
	s0 =	sld [smem:$0x3FAD]  }
0x30: {  	s3 =	sld [smem:$0x3FB0]  }
0x31: {  	[smem:$0x3FB9] =	sst s10  }
0x32: {  	s10 =	sld [smem:$0x3FB7];
	_ =	sdelay $0x3  }
0x33: {  	p0 =	seq.s32 s10, $0x1;
	s10 =	sld [smem:$0x3FB9];
	_ =	sdelay $0x3  }
0x34: {  	[smem:$0x3FB9] =	sst s10  }
0x35: {  	s10 =	sld [smem:$0x3FB8];
	_ =	sdelay $0x3  }
0x36: {  	p1 =	seq.s32 s10, $0x1;
	s10 =	sld [smem:$0x3FB9];
	_ =	sdelay $0x3  }
0x37: {  	[smem:$0x3FB9] =	sst s10  }
0x38: {  	s10 =	sld [smem:$0x3FBA]  }
0x39: {  	_ = 	snop;
	(pc) =	sbr.ind lr, $3  }
0x3a: {  	_ = 	snop  }
0x3b: {  	_ = 	snop  }
0x3c: {  	p2 =	seq.s32 s10, $0x1;
	s10 =	sld [smem:$0x3FB9]  }
0x3d: {  	_ =	shalt  }
0x3e: {  	_ =	shalt  }
0x3f: {  	_ =	shalt  }
0x40: {  	_ =	shalt  }
0x41: {  	_ =	shalt  }
0x42: {  	_ =	shalt  }
0x43: {  	_ =	shalt  }
0x44: {  	_ =	shalt  }
0x45: {  	_ =	shalt  }
0x46: {  	_ =	shalt  }
0x47: {  	_ =	shalt  }
0x48: {  	_ =	shalt  }
0x49: {  	_ =	shalt  }
0x4a: {  	_ =	shalt  }
0x4b: {  	_ =	shalt  }
0x4c: {  	_ =	shalt  }
0x4d: {  	_ =	shalt  }
0x4e: {  	_ =	shalt  }
0x4f: {  	_ =	shalt  }
0x50: {  	_ =	shalt  }
0x51: {  	_ =	shalt  }
0x52: {  	_ =	shalt  }
0x53: {  	_ =	shalt  }
0x54: {  	_ =	shalt  }
0x55: {  	_ =	shalt  }
0x56: {  	_ =	shalt  }
0x57: {  	_ =	shalt  }
0x58: {  	_ =	shalt  }
0x59: {  	_ =	shalt  }
0x5a: {  	_ =	shalt  }
0x5b: {  	_ =	shalt  }
0x5c: {  	_ =	shalt  }
0x5d: {  	_ =	shalt  }
0x5e: {  	_ =	shalt  }
0x5f: {  	_ =	shalt  }
0x60: {  	_ =	shalt  }
0x61: {  	_ =	shalt  }
0x62: {  	_ =	shalt  }
0x63: {  	_ =	shalt  }
0x64: {  	_ =	shalt  }
0x65: {  	_ =	shalt  }
0x66: {  	_ =	shalt  }
0x67: {  	_ =	shalt  }
0x68: {  	_ =	shalt  }
0x69: {  	_ =	shalt  }
0x6a: {  	_ =	shalt  }
0x6b: {  	_ =	shalt  }
0x6c: {  	_ =	shalt  }
0x6d: {  	_ =	shalt  }
0x6e: {  	_ =	shalt  }
0x6f: {  	_ =	shalt  }
0x70: {  	_ =	shalt  }
0x71: {  	_ =	shalt  }
0x72: {  	_ =	shalt  }
0x73: {  	_ =	shalt  }
0x74: {  	_ =	shalt  }
0x75: {  	_ =	shalt  }
0x76: {  	_ =	shalt  }
0x77: {  	_ =	shalt  }
0x78: {  	_ =	shalt  }
0x79: {  	_ =	shalt  }
0x7a: {  	_ =	shalt  }
0x7b: {  	_ =	shalt  }
0x7c: {  	_ =	shalt  }
0x7d: {  	_ =	shalt  }
0x7e: {  	_ =	shalt  }
0x7f: {  	_ =	shalt  }
0x80: {  	_ =	shalt  }
0x81: {  	_ =	shalt  }
0x82: {  	_ =	shalt  }
0x83: {  	_ =	shalt  }
0x84: {  	_ =	shalt  }
0x85: {  	_ =	shalt  }
0x86: {  	_ =	shalt  }
0x87: {  	_ =	shalt  }
.Lfunc_end0:
.L_simem_size_0:
called_computation_lowered:
.L_overlay_start_0:
0x88: {  	s2 =	sld [smem:$0x3FD9]  }
0x89: {  	s3 =	sld [smem:$0x3FFE];
	_ =	sdelay $0x1  }
0x8a: {  	s1 =	srdreg.scid  }
0x8b: {  	s0 =	sand.u32 $0x1, s1  }
0x8c: {  	s16 =	sshll.u32 s0, $0xA;
	s2 =	sadd.s32 s3, s2  }
0x8d: {  	s2 =	sadd.s32 s2, s16  }
0x8e: {  	[smem:$0x3FC5] =	sst s2  }
0x8f: {  	_ = 	snop  }
0x90: {  	(tm) =	ssettm $0x1  }
0x91: {  	s17 =	sld [smem:$0x3FFB];
	_ =	sdelay $0x3  }
0x92: {  	_ =	strace s17  }
0x93: {  	s2 =	sld [smem:$0x3FFC];
	_ =	sdelay $0x3  }
0x94: {  	_ =	strace s2  }
0x95: {  	s2 =	sld [smem:$0x3FFD];
	_ =	sdelay $0x3  }
0x96: {  	_ =	strace s2  }
0x97: {  	_ =	strace $0x8FFFFFFF  }
0x98: {  	s18 =	sld [smem:$0x3FDB];
	_ =	sdelay $0x1  }
0x99: {  	s19 =	simm.s32 $_scs_section_size  }
0x9a: {  	s4 =	simm.s32 $_size__tile_overlayer_lowered;
	s5 =	simm.s32 $_tile_overlayer_lowered  }
0x9b: {  	s22 =	simm.s32 $0x1BFF;
	s21 =	sshll.u32 s5, $0x1;
	s2 =	sadd.s32 s19, s18  }
0x9c: {  	s6 =	simm.s32 $0x0;
	s20 =	sshll.u32 s4, $0x1;
	s4 =	sadd.s32 s21, s2  }
0x9d: {  	[timem:s6], [sflag:s22] =	dma.local [hbm:s4], s20  }
0x9e: {  	_ =	swait.ge [sflag:s22], s20  }
0x9f: {  	s3 =	ssub.s32 $0x0, s20;
	[sflag:s22] =	ssyncset.done $0x0  }
0xa0: {  	[sflag:s22] =	ssyncadd.s32 s3;
	_ =	sdelay $0x1  }
0xa1: {  	s23 =	simm.s32 $0x1B8B  }
0xa2: {  	_ =	swait.ge [sflag:s23], $0x1  }
0xa3: {  	[sflag:s23] =	ssyncset.done $0x0  }
0xa4: {  	s25 =	simm.s32 $0x1B8E;
	s24 =	sld [smem:$0x3FFE];
	[sflag:s23] =	ssyncadd.s32 $0xFFFFFFFF  }
0xa5: {  	s26 =	simm.s32 $execute0_lowered;
	[smem:$0x3FD2] =	sst s25  }
0xa6: {  	s4 =	sshll.u32 s26, $0x1;
	_ =	strace $0x80000046;
	[dreg:$0x1] =	wrdreg $0xFFFFFFFF  }
0xa7: {  	s28 =	simm.s32 $_size_execute0_lowered;
	s2 =	sadd.s32 s2, s4;
	[dreg:$0x0] =	wrdreg $0x0  }
0xa8: {  	s4 =	sshll.u32 s28, $0x1;
	[dreg:$0x2] =	wrdreg s2  }
0xa9: {  	[dreg:$0x3] =	wrdreg s4  }
0xaa: {  	[dreg:$0x4] =	wrdreg $0xC0  }
0xab: {  	_ =	task [dreg:s6], $0x5FFFF  }
0xac: {  	[dreg:$0x1] =	wrdreg $0xFFFFFFFF  }
0xad: {  	[dreg:$0x0] =	wrdreg $0x60  }
0xae: {  	[dreg:$0x2] =	wrdreg s24  }
0xaf: {  	[dreg:$0x3] =	wrdreg $0x9  }
0xb0: {  	_ =	task.clear_ibuf [dreg:s6], $0x4FFFF;
	_ =	strace $0x90000046  }
0xb1: {  	s29 =	simm.s32 $0x9;
	_ =	strace $0x80000048  }
0xb2: {  	_ =	swait.ge [sflag:s29], $0x1  }
0xb3: {  	[sflag:s29] =	ssyncadd.s32 $0xFFFFFFFF  }
0xb4: {  	_ =	strace $0x90000048  }
0xb5: {  	_ =	sfence  }
0xb6: {  	s30 =	sld [smem:$0x0];
	_ =	sdelay $0x2  }
0xb7: {  	s31 =	sshll.u32 s1, $0xD;
	s1 =	sshrl.u32 s1, $0x2  }
0xb8: {  	s3 =	sand.u32 $0x4000, s31;
	s1 =	sadd.s32 s1, s30  }
0xb9: {  	s0 =	sor.u32 s3, s0;
	s1 =	sshll.u32 s1, $0x11  }
0xba: {  	s0 =	sor.u32 s1, s0  }
0xbb: {  	s0 =	sadd.s32 $0x8F2B, s0  }
0xbc: {  	[sflag:s0] =	ssyncadd.remote.s32 $0x1  }
0xbd: {  	_ =	sfence.sel $0xFFFF  }
0xbe: {  	[dreg:$0x0] =	wrdreg $0xFFFFFFFF;
	(pc) =	sbr.abs _section_cstart, $3  }
0xbf: {  	[dreg:$0x1] =	wrdreg $0xFFFFFFFF  }
0xc0: {  	_ =	task.clear_ibuf [dreg:s6], $0x2FFFF;
	_ =	strace $0x9FFFFFFF  }
0xc1: {  	(tm) =	ssettm $0x7FFFFFFF  }
tec
execute0_lowered:
.L_overlay_start_1:
0x0: {  	(tag) =	ssettag $0x1  }
0x1: {  	s0 =	srdreg.scid  }
0x2: {  	s3 =	sand.u32 $0x1, s0;
	s0 =	stileid.u32  }
0x3: {  	s4 =	sshll.u32 s0, $0x1;
	s5 =	ssub.s32 $0x0, s3  }
0x4: {  	p0 =	sne.s32 s4, s5  }
.Ltmp0:
0x5: {  	_ = 	snop;
	(pc) =	sbr.rel @p0 .LBB2_35-.Ltmp0, $3  }
0x6: {  	_ =	sdelay $0x1  }
0x7: {  	s2 =	rddreg [dreg:$0x0]  }
0x8: {  	s1 =	rddreg [dreg:$0x1];
	_ =	strace $0x80000047  }
0x9: {  	v0 =	vimm.s32 $0xEFCDAB89;
	v1 =	vimm.s32 $0x67452301;
	v2 =	vimm.s32 $0xDCFE98BA  }
0xa: {  	v3 =	vimm.s32 $0x54761032;
	v4 =	vimm.s32 $0xBA98FEDC;
	v5 =	vimm.s32 $0xFEDCBA98  }
0xb: {  	v6 =	vimm.s32 $0x32107654;
	v7 =	vimm.s32 $0x76543210;
	v0 =	vunpack.c.l.s4.s8 v0  }
0xc: {  	v1 =	vunpack.c.l.s4.s8 v1;
	v2 =	vunpack.c.l.s4.s8 v2;
	v3 =	vunpack.c.l.s4.s8 v3  }
0xd: {  	v5 =	vunpack.c.l.s4.s8 v5;
	v4 =	vunpack.c.l.s4.s8 v4;
	v6 =	vunpack.c.l.s4.s8 v6  }
0xe: {  	v7 =	vunpack.c.l.s4.s8 v7;
	v0 =	vunpack.c.0.s8.s32 v0;
	v1 =	vunpack.c.0.s8.s32 v1  }
0xf: {  	s3 =	ssub.s32 $0x2, s3;
	v2 =	vunpack.c.0.s8.s32 v2;
	v3 =	vunpack.c.0.s8.s32 v3;
	v5 =	vunpack.c.0.s8.s32 v5  }
0x10: {  	s5 =	simm.s32 $0x0;
	s4 =	sshrl.u32 s3, $0x1;
	v4 =	vunpack.c.0.s8.s32 v4;
	v6 =	vunpack.c.0.s8.s32 v6;
	v7 =	vunpack.c.0.s8.s32 v7  }
0x11: {  	s6 =	simm.s32 $0x1;
	s7 =	simm.s32 $0x2800;
	s4 =	ssub.s32 s3, s4;
	v0 =	vcombine.low v1, v0;
	v1 =	vcombine.low v3, v2;
	v3 =	vand.u32 $0xF, v5  }
0x12: {  	s8 =	simm.s32 $0x0;
	s3 =	sadd.s32 $0x400, s2;
	s4 =	smax.u32 s4, $0x1;
	v2 =	vcombine.low v6, v4;
	v4 =	vlaneseq.u32;
	v3 =	vcombine.low v3, v7  }
.LBB2_2:
0x13: {  	[tilespmem:s5], [sflag:$0x1] =	stream.linear.gather [hbm4b:s2+s5], $0x2000, $0x38;
	[tilespmem:$0x3000] =	vst v63  }
0x14: {  	_ =	swait.ge [sflag:s6], $0x2000  }
0x15: {  	s9 =	sand.u32 $0x70, s5;
	s10 =	sand.u32 $0x1E00, s5;
	[sflag:s6] =	ssyncset.done $0x0  }
0x16: {  	s9 =	sor.u32 s9, s10;
	[sflag:s6] =	ssyncadd.s32 $0xFFFFE000  }
0x17: {  	v5 =	vld [tilespmem:s9+$0x0];
	_ =	sdelay $0x1  }
0x18: {  	v6 =	vld [tilespmem:s9+$0x80];
	_ =	sdelay $0x1  }
0x19: {  	v7 =	vld [tilespmem:s9+$0x100]  }
0x1a: {  	v5 =	vadd.f32 $0.0e+00, v5  }
0x1b: {  	v8 =	vld [tilespmem:s9+$0x180]  }
0x1c: {  	v5 =	vadd.f32 v6, v5;
	_ =	sdelay $0x1  }
0x1d: {  	v5 =	vadd.f32 v7, v5;
	_ =	sdelay $0x1  }
0x1e: {  	v5 =	vadd.f32 v8, v5;
	_ =	sdelay $0x1  }
0x1f: {  	s31 =	simm.s32 $0x10;
	s13 =	simm.s32 $0x0;
	s9 =	simm.s32 $0x40;
	v5 =	vmul.f32 $2.500000000e-01, v5  }
0x20: {  	s11 =	sand.u32 $0x70, s31;
	s10 =	simm.s32 $0x20;
	s12 =	sand.u32 $0x1E00, s9  }
.LBB2_3:
0x21: {  	p0 =	sne.s32 s10, $0x7F0;
	s11 =	sor.u32 s11, s12;
	[tilespmem:s13+$0x2000] =	vst v5;
	s13 =	smov.u32 s9  }
0x22: {  	v5 =	vld [tilespmem:s11+$0x0];
	_ =	sdelay $0x1  }
0x23: {  	v6 =	vld [tilespmem:s11+$0x80];
	_ =	sdelay $0x1  }
0x24: {  	v7 =	vld [tilespmem:s11+$0x100]  }
0x25: {  	v5 =	vadd.f32 $0.0e+00, v5  }
0x26: {  	v8 =	vld [tilespmem:s11+$0x180]  }
0x27: {  	v5 =	vadd.f32 v6, v5;
	_ =	sdelay $0x1  }
0x28: {  	v5 =	vadd.f32 v7, v5  }
.Ltmp1:
0x29: {  	(pc) =	sbr.rel @p0 .LBB2_3-.Ltmp1, $3  }
0x2a: {  	v5 =	vadd.f32 v8, v5;
	_ =	sdelay $0x1  }
0x2b: {  	s9 =	sadd.s32 $0x40, s9;
	s11 =	sand.u32 $0x70, s10;
	v5 =	vmul.f32 $2.500000000e-01, v5  }
0x2c: {  	s12 =	sand.u32 $0x1E00, s9;
	s13 =	sshra.s32 s13, $0x2;
	s10 =	sadd.s32 $0x10, s10  }
0x2d: {  	s10 =	sor.u32 s11, s12;
	[tilespmem:s13+$0x2000] =	vst v5  }
0x2e: {  	v5 =	vld [tilespmem:s10+$0x0];
	_ =	sdelay $0x1  }
0x2f: {  	v6 =	vld [tilespmem:s10+$0x80];
	_ =	sdelay $0x1  }
0x30: {  	v7 =	vld [tilespmem:s10+$0x100]  }
0x31: {  	v5 =	vadd.f32 $0.0e+00, v5  }
0x32: {  	v8 =	vld [tilespmem:s10+$0x180]  }
0x33: {  	v5 =	vadd.f32 v6, v5;
	_ =	sdelay $0x1  }
0x34: {  	v5 =	vadd.f32 v7, v5;
	_ =	sdelay $0x1  }
0x35: {  	v5 =	vadd.f32 v8, v5;
	_ =	sdelay $0x1  }
0x36: {  	v5 =	vmul.f32 $2.500000000e-01, v5  }
0x37: {  	s9 =	sshra.s32 s9, $0x2  }
0x38: {  	s31 =	simm.s32 $0x0;
	[tilespmem:s9+$0x2000] =	vst v5  }
0x39: {  	v5 =	vimm.f32 $-Inf;
	s9 =	simm.s32 $0x40;
	v6 =	vld [tilespmem:s31+$0x2000]  }
.LBB2_5:
0x3a: {  	p0 =	sne.s32 s9, $0x1FC0  }
.Ltmp2:
0x3b: {  	_ = 	snop;
	(pc) =	sbr.rel @p0 .LBB2_5-.Ltmp2, $3  }
0x3c: {  	_ =	sdelay $0x1  }
0x3d: {  	s10 =	sshra.s32 s9, $0x2;
	s9 =	sadd.s32 $0x40, s9;
	v5 =	vmax.f32 v5, v6  }
0x3e: {  	v6 =	vld [tilespmem:s10+$0x2000]  }
0x3f: {  	_ =	sdelay $0x3  }
0x40: {  	v5 =	vmax.f32 v5, v6  }
0x41: {  	v6 =	vperm.xlane v5, v0;
	_ =	sdelay $0x1  }
0x42: {  	v5 =	vmax.f32 v5, v6  }
0x43: {  	v6 =	vperm.xlane v5, v1;
	_ =	sdelay $0x1  }
0x44: {  	v5 =	vmax.f32 v5, v6  }
0x45: {  	s9 =	simm.s32 $0x2000;
	v6 =	vperm.xlane v5, v2  }
0x46: {  	v7 =	vld [tilespmem:s9+$0x0]  }
0x47: {  	v5 =	vmax.f32 v5, v6  }
0x48: {  	v6 =	vperm.xlane v5, v3;
	_ =	sdelay $0x1  }
0x49: {  	s10 =	simm.s32 $0x0;
	v6 =	vmax.f32 v5, v6  }
0x4a: {  	s9 =	simm.s32 $0x10;
	v5 =	vimm.s32 $0x800;
	vm0 =	veq.f32 v7, v6;
	v7 =	vor.u32 s10, v4;
	s10 =	simm.s32 $0x2010  }
.LBB2_7:
0x4b: {  	v8 =	vld [tilespmem:s10+$0x0];
	p0 =	sne.s32 s9, $0x7F0;
	v7 =	vnsel vm0, $0x800, v7;
	s11 =	smov.u32 s9;
	s9 =	sadd.s32 $0x10, s9  }
.Ltmp3:
0x4c: {  	vm0 =	vlt.s32 v5, v7;
	(pc) =	sbr.rel @p0 .LBB2_7-.Ltmp3, $2  }
0x4d: {  	v5 =	vsel vm0, v5, v7;
	_ =	sdelay $0x2  }
0x4e: {  	s10 =	sadd.s32 $0x10, s10;
	v7 =	vor.u32 s11, v4;
	vm0 =	veq.f32 v8, v6  }
0x4f: {  	v6 =	vnsel vm0, $0x800, v7  }
0x50: {  	vm0 =	vlt.s32 v5, v6  }
0x51: {  	v5 =	vsel vm0, v5, v6  }
0x52: {  	v6 =	vperm.xlane v5, v0;
	_ =	sdelay $0x1  }
0x53: {  	vm0 =	vlt.s32 v5, v6  }
0x54: {  	v5 =	vsel vm0, v5, v6  }
0x55: {  	v6 =	vperm.xlane v5, v1;
	_ =	sdelay $0x1  }
0x56: {  	vm0 =	vlt.s32 v5, v6  }
0x57: {  	v5 =	vsel vm0, v5, v6  }
0x58: {  	v6 =	vperm.xlane v5, v2;
	_ =	sdelay $0x1  }
0x59: {  	s9 =	simm.s32 $0x2000;
	vm0 =	vlt.s32 v5, v6  }
0x5a: {  	v7 =	vld [tilespmem:s9+$0x0];
	v5 =	vsel vm0, v5, v6  }
0x5b: {  	v6 =	vperm.xlane v5, v3;
	_ =	sdelay $0x1  }
0x5c: {  	s31 =	simm.s32 $0x0;
	vm0 =	vlt.s32 v5, v6  }
0x5d: {  	v8 =	vor.u32 s31, v4;
	v5 =	vsel vm0, v5, v6;
	v6 =	vimm.f32 $-Inf  }
0x5e: {  	s10 =	simm.s32 $0x2010;
	s9 =	simm.s32 $0x10;
	vm0 =	veq.s32 v8, v5;
	v7 =	vmax.f32 v6, v7  }
.LBB2_9:
0x5f: {  	v8 =	vld [tilespmem:s10+$0x0];
	p0 =	sne.s32 s9, $0x7F0;
	v6 =	vsel vm0, v6, v7;
	s11 =	smov.u32 s9;
	s9 =	sadd.s32 $0x10, s9  }
.Ltmp4:
0x60: {  	(pc) =	sbr.rel @p0 .LBB2_9-.Ltmp4, $3  }
0x61: {  	_ =	sdelay $0x1  }
0x62: {  	v7 =	vor.u32 s11, v4  }
0x63: {  	s10 =	sadd.s32 $0x10, s10;
	vm0 =	veq.s32 v7, v5;
	v7 =	vmax.f32 v6, v8  }
0x64: {  	v6 =	vsel vm0, v6, v7  }
0x65: {  	v7 =	vperm.xlane v6, v0;
	_ =	sdelay $0x1  }
0x66: {  	v6 =	vmax.f32 v6, v7  }
0x67: {  	v7 =	vperm.xlane v6, v1;
	_ =	sdelay $0x1  }
0x68: {  	s9 =	simm.s32 $0x2000;
	v6 =	vmax.f32 v6, v7  }
0x69: {  	v9 =	vld [tilespmem:s9+$0x0];
	v7 =	vperm.xlane v6, v2;
	_ =	sdelay $0x1  }
0x6a: {  	s31 =	simm.s32 $0x0;
	v6 =	vmax.f32 v6, v7  }
0x6b: {  	v8 =	vor.u32 s31, v4;
	v7 =	vperm.xlane v6, v3  }
0x6c: {  	vm15 =	veq.s32 v8, v5  }
0x6d: {  	s10 =	simm.s32 $0x2010;
	s9 =	simm.s32 $0x10;
	v9 =	vsel vm15, $0xFF800000, v9;
	v7 =	vmax.f32 v6, v7;
	v6 =	vimm.s32 $0x800  }
.LBB2_11:
0x6e: {  	v10 =	vld [tilespmem:s10+$0x0];
	p0 =	sne.s32 s9, $0x7F0;
	vm0 =	veq.f32 v9, v7;
	s11 =	smov.u32 s9;
	s9 =	sadd.s32 $0x10, s9  }
.Ltmp5:
0x6f: {  	v9 =	vnsel vm0, $0x800, v8;
	(pc) =	sbr.rel @p0 .LBB2_11-.Ltmp5, $4  }
0x70: {  	vm0 =	vlt.s32 v6, v9  }
0x71: {  	v8 =	vor.u32 s11, v4;
	v6 =	vsel vm0, v6, v9  }
0x72: {  	vm0 =	veq.s32 v8, v5  }
0x73: {  	s10 =	sadd.s32 $0x10, s10;
	v9 =	vsel vm0, $0xFF800000, v10  }
0x74: {  	vm0 =	veq.f32 v9, v7  }
0x75: {  	v7 =	vnsel vm0, $0x800, v8  }
0x76: {  	vm0 =	vlt.s32 v6, v7  }
0x77: {  	v6 =	vsel vm0, v6, v7  }
0x78: {  	v7 =	vperm.xlane v6, v0;
	_ =	sdelay $0x1  }
0x79: {  	vm0 =	vlt.s32 v6, v7  }
0x7a: {  	v6 =	vsel vm0, v6, v7  }
0x7b: {  	v7 =	vperm.xlane v6, v1;
	_ =	sdelay $0x1  }
0x7c: {  	vm0 =	vlt.s32 v6, v7  }
0x7d: {  	v6 =	vsel vm0, v6, v7  }
0x7e: {  	v7 =	vperm.xlane v6, v2;
	_ =	sdelay $0x1  }
0x7f: {  	vm0 =	vlt.s32 v6, v7  }
0x80: {  	s9 =	simm.s32 $0x2000;
	v6 =	vsel vm0, v6, v7  }
0x81: {  	v8 =	vld [tilespmem:s9+$0x0];
	v7 =	vperm.xlane v6, v3;
	_ =	sdelay $0x1  }
0x82: {  	s31 =	simm.s32 $0x0;
	vm0 =	vlt.s32 v6, v7  }
0x83: {  	v9 =	vor.u32 s31, v4;
	v6 =	vsel vm0, v6, v7  }
0x84: {  	v7 =	vimm.f32 $-Inf;
	vm0 =	veq.s32 v9, v5;
	vm1 =	veq.s32 v9, v6  }
0x85: {  	s10 =	simm.s32 $0x2010;
	s9 =	simm.s32 $0x10;
	v8 =	vmax.f32 v7, v8;
	vm0 =	vmor vm1, vm0  }
.LBB2_13:
0x86: {  	v9 =	vld [tilespmem:s10+$0x0];
	p0 =	sne.s32 s9, $0x7F0;
	v7 =	vsel vm0, v7, v8;
	s11 =	smov.u32 s9;
	s9 =	sadd.s32 $0x10, s9  }
.Ltmp6:
0x87: {  	(pc) =	sbr.rel @p0 .LBB2_13-.Ltmp6, $4  }
0x88: {  	_ = 	snop  }
0x89: {  	v8 =	vor.u32 s11, v4  }
0x8a: {  	vm0 =	veq.s32 v8, v5;
	vm1 =	veq.s32 v8, v6  }
0x8b: {  	s10 =	sadd.s32 $0x10, s10;
	vm0 =	vmor vm1, vm0;
	v8 =	vmax.f32 v7, v9  }
0x8c: {  	v7 =	vsel vm0, v7, v8  }
0x8d: {  	v8 =	vperm.xlane v7, v0;
	_ =	sdelay $0x1  }
0x8e: {  	v7 =	vmax.f32 v7, v8  }
0x8f: {  	v8 =	vperm.xlane v7, v1;
	_ =	sdelay $0x1  }
0x90: {  	s9 =	simm.s32 $0x2000;
	v7 =	vmax.f32 v7, v8  }
0x91: {  	v10 =	vld [tilespmem:s9+$0x0];
	v8 =	vperm.xlane v7, v2  }
0x92: {  	s31 =	simm.s32 $0x0  }
0x93: {  	v8 =	vmax.f32 v7, v8;
	v7 =	vor.u32 s31, v4  }
0x94: {  	v9 =	vperm.xlane v8, v3;
	vm15 =	veq.s32 v7, v5;
	vm1 =	veq.s32 v7, v6  }
0x95: {  	vm0 =	vmor vm1, vm15  }
0x96: {  	s10 =	simm.s32 $0x2010;
	s9 =	simm.s32 $0x10;
	v9 =	vmax.f32 v8, v9;
	v8 =	vimm.s32 $0x800;
	v10 =	vsel vm0, $0xFF800000, v10  }
.LBB2_15:
0x97: {  	v11 =	vld [tilespmem:s10+$0x0];
	p0 =	sne.s32 s9, $0x7F0;
	vm0 =	veq.f32 v10, v9;
	s11 =	smov.u32 s9;
	s9 =	sadd.s32 $0x10, s9  }
.Ltmp7:
0x98: {  	v10 =	vnsel vm0, $0x800, v7;
	(pc) =	sbr.rel @p0 .LBB2_15-.Ltmp7, $4  }
0x99: {  	v7 =	vor.u32 s11, v4;
	vm0 =	vlt.s32 v8, v10  }
0x9a: {  	vm1 =	veq.s32 v7, v5;
	vm2 =	veq.s32 v7, v6;
	v8 =	vsel vm0, v8, v10  }
0x9b: {  	vm0 =	vmor vm2, vm1  }
0x9c: {  	s10 =	sadd.s32 $0x10, s10;
	v10 =	vsel vm0, $0xFF800000, v11  }
0x9d: {  	vm0 =	veq.f32 v10, v9  }
0x9e: {  	v7 =	vnsel vm0, $0x800, v7  }
0x9f: {  	vm0 =	vlt.s32 v8, v7  }
0xa0: {  	v7 =	vsel vm0, v8, v7  }
0xa1: {  	v8 =	vperm.xlane v7, v0;
	_ =	sdelay $0x1  }
0xa2: {  	vm0 =	vlt.s32 v7, v8  }
0xa3: {  	v7 =	vsel vm0, v7, v8  }
0xa4: {  	v8 =	vperm.xlane v7, v1;
	_ =	sdelay $0x1  }
0xa5: {  	vm0 =	vlt.s32 v7, v8  }
0xa6: {  	v7 =	vsel vm0, v7, v8  }
0xa7: {  	v8 =	vperm.xlane v7, v2;
	_ =	sdelay $0x1  }
0xa8: {  	vm0 =	vlt.s32 v7, v8  }
0xa9: {  	v7 =	vsel vm0, v7, v8  }
0xaa: {  	s9 =	simm.s32 $0x2000;
	v8 =	vperm.xlane v7, v3  }
0xab: {  	v9 =	vld [tilespmem:s9+$0x0]  }
0xac: {  	s31 =	simm.s32 $0x0;
	vm0 =	vlt.s32 v7, v8  }
0xad: {  	v10 =	vor.u32 s31, v4;
	v7 =	vsel vm0, v7, v8  }
0xae: {  	vm0 =	veq.s32 v10, v6;
	vm1 =	veq.s32 v10, v7  }
0xaf: {  	vm2 =	veq.s32 v10, v5;
	v8 =	vimm.f32 $-Inf;
	vm0 =	vmor vm1, vm0  }
0xb0: {  	s10 =	simm.s32 $0x2010;
	s9 =	simm.s32 $0x10;
	v9 =	vmax.f32 v8, v9;
	vm0 =	vmor vm0, vm2  }
.LBB2_17:
0xb1: {  	v10 =	vld [tilespmem:s10+$0x0];
	p0 =	sne.s32 s9, $0x7F0;
	v8 =	vsel vm0, v8, v9;
	s11 =	smov.u32 s9;
	s9 =	sadd.s32 $0x10, s9  }
.Ltmp8:
0xb2: {  	(pc) =	sbr.rel @p0 .LBB2_17-.Ltmp8, $4  }
0xb3: {  	v9 =	vor.u32 s11, v4  }
0xb4: {  	vm0 =	veq.s32 v9, v6;
	vm1 =	veq.s32 v9, v7  }
0xb5: {  	vm2 =	veq.s32 v9, v5;
	vm0 =	vmor vm1, vm0  }
0xb6: {  	s10 =	sadd.s32 $0x10, s10;
	vm0 =	vmor vm0, vm2;
	v9 =	vmax.f32 v8, v10  }
0xb7: {  	v8 =	vsel vm0, v8, v9  }
0xb8: {  	v9 =	vperm.xlane v8, v0;
	_ =	sdelay $0x1  }
0xb9: {  	v8 =	vmax.f32 v8, v9  }
0xba: {  	v9 =	vperm.xlane v8, v1;
	_ =	sdelay $0x1  }
0xbb: {  	s9 =	simm.s32 $0x2000;
	v9 =	vmax.f32 v8, v9  }
0xbc: {  	s10 =	simm.s32 $0x0;
	v11 =	vld [tilespmem:s9+$0x0];
	v10 =	vperm.xlane v9, v2  }
0xbd: {  	v8 =	vor.u32 s10, v4  }
0xbe: {  	vm15 =	veq.s32 v8, v6;
	vm1 =	veq.s32 v8, v7;
	v9 =	vmax.f32 v9, v10  }
0xbf: {  	vm2 =	veq.s32 v8, v5;
	vm0 =	vmor vm1, vm15;
	v10 =	vperm.xlane v9, v3  }
0xc0: {  	vm0 =	vmor vm0, vm2  }
0xc1: {  	s9 =	simm.s32 $0x10;
	s10 =	simm.s32 $0x2010;
	v11 =	vsel vm0, $0xFF800000, v11;
	v10 =	vmax.f32 v9, v10;
	v9 =	vimm.s32 $0x800  }
.LBB2_19:
0xc2: {  	v12 =	vld [tilespmem:s10+$0x0];
	p0 =	sne.s32 s9, $0x7F0;
	vm0 =	veq.f32 v11, v10;
	s11 =	smov.u32 s9;
	s9 =	sadd.s32 $0x10, s9  }
.Ltmp9:
0xc3: {  	v11 =	vnsel vm0, $0x800, v8;
	v8 =	vor.u32 s11, v4;
	(pc) =	sbr.rel @p0 .LBB2_19-.Ltmp9, $4  }
0xc4: {  	vm0 =	veq.s32 v8, v6;
	vm1 =	veq.s32 v8, v7;
	vm2 =	vlt.s32 v9, v11  }
0xc5: {  	vm3 =	veq.s32 v8, v5;
	vm0 =	vmor vm1, vm0;
	v9 =	vsel vm2, v9, v11  }
0xc6: {  	vm0 =	vmor vm0, vm3  }
0xc7: {  	s10 =	sadd.s32 $0x10, s10;
	v11 =	vsel vm0, $0xFF800000, v12  }
0xc8: {  	vm0 =	veq.f32 v11, v10  }
0xc9: {  	v8 =	vnsel vm0, $0x800, v8  }
0xca: {  	vm0 =	vlt.s32 v9, v8  }
0xcb: {  	v8 =	vsel vm0, v9, v8  }
0xcc: {  	v9 =	vperm.xlane v8, v0;
	_ =	sdelay $0x1  }
0xcd: {  	vm0 =	vlt.s32 v8, v9  }
0xce: {  	v8 =	vsel vm0, v8, v9  }
0xcf: {  	v9 =	vperm.xlane v8, v1;
	_ =	sdelay $0x1  }
0xd0: {  	vm0 =	vlt.s32 v8, v9  }
0xd1: {  	v8 =	vsel vm0, v8, v9  }
0xd2: {  	v9 =	vperm.xlane v8, v2;
	_ =	sdelay $0x1  }
0xd3: {  	vm0 =	vlt.s32 v8, v9  }
0xd4: {  	v8 =	vsel vm0, v8, v9  }
0xd5: {  	v9 =	vperm.xlane v8, v3  }
0xd6: {  	s9 =	simm.s32 $0x2000  }
0xd7: {  	s10 =	simm.s32 $0x0;
	v10 =	vld [tilespmem:s9+$0x0];
	vm0 =	vlt.s32 v8, v9  }
0xd8: {  	v11 =	vor.u32 s10, v4;
	v8 =	vsel vm0, v8, v9  }
0xd9: {  	vm0 =	veq.s32 v11, v7;
	vm1 =	veq.s32 v11, v8  }
0xda: {  	vm2 =	veq.s32 v11, v6;
	vm0 =	vmor vm1, vm0  }
0xdb: {  	v9 =	vimm.f32 $-Inf;
	vm1 =	veq.s32 v11, v5;
	vm0 =	vmor vm0, vm2  }
0xdc: {  	s9 =	simm.s32 $0x10;
	s10 =	simm.s32 $0x2010;
	v10 =	vmax.f32 v9, v10;
	vm0 =	vmor vm0, vm1  }
.LBB2_21:
0xdd: {  	v11 =	vld [tilespmem:s10+$0x0];
	p0 =	sne.s32 s9, $0x7F0;
	v9 =	vsel vm0, v9, v10;
	s11 =	smov.u32 s9;
	s9 =	sadd.s32 $0x10, s9  }
.Ltmp10:
0xde: {  	v10 =	vor.u32 s11, v4;
	(pc) =	sbr.rel @p0 .LBB2_21-.Ltmp10, $4  }
0xdf: {  	vm0 =	veq.s32 v10, v7;
	vm1 =	veq.s32 v10, v8  }
0xe0: {  	vm2 =	veq.s32 v10, v6;
	vm0 =	vmor vm1, vm0  }
0xe1: {  	vm1 =	veq.s32 v10, v5;
	vm0 =	vmor vm0, vm2  }
0xe2: {  	s10 =	sadd.s32 $0x10, s10;
	vm0 =	vmor vm0, vm1;
	v10 =	vmax.f32 v9, v11  }
0xe3: {  	v9 =	vsel vm0, v9, v10  }
0xe4: {  	v10 =	vperm.xlane v9, v0;
	_ =	sdelay $0x1  }
0xe5: {  	v9 =	vmax.f32 v9, v10  }
0xe6: {  	v10 =	vperm.xlane v9, v1;
	_ =	sdelay $0x1  }
0xe7: {  	s9 =	simm.s32 $0x0;
	s10 =	simm.s32 $0x2000;
	v10 =	vmax.f32 v9, v10  }
0xe8: {  	v12 =	vld [tilespmem:s10+$0x0];
	v9 =	vor.u32 s9, v4;
	v11 =	vperm.xlane v10, v2  }
0xe9: {  	vm14 =	veq.s32 v9, v7;
	vm1 =	veq.s32 v9, v8  }
0xea: {  	vm2 =	veq.s32 v9, v6;
	vm0 =	vmor vm1, vm14;
	v10 =	vmax.f32 v10, v11  }
0xeb: {  	vm15 =	veq.s32 v9, v5;
	vm0 =	vmor vm0, vm2;
	v11 =	vperm.xlane v10, v3  }
0xec: {  	vm0 =	vmor vm0, vm15  }
0xed: {  	s10 =	simm.s32 $0x2010;
	s9 =	simm.s32 $0x10;
	v12 =	vsel vm0, $0xFF800000, v12;
	v11 =	vmax.f32 v10, v11;
	v10 =	vimm.s32 $0x800  }
.LBB2_23:
0xee: {  	v13 =	vld [tilespmem:s10+$0x0];
	v14 =	vor.u32 s9, v4;
	p0 =	sne.s32 s9, $0x7F0;
	s9 =	sadd.s32 $0x10, s9;
	vm0 =	veq.f32 v12, v11  }
.Ltmp11:
0xef: {  	vm1 =	veq.s32 v14, v7;
	vm2 =	veq.s32 v14, v8;
	v12 =	vnsel vm0, $0x800, v9;
	v9 =	vmovc v14;
	(pc) =	sbr.rel @p0 .LBB2_23-.Ltmp11, $4  }
0xf0: {  	vm0 =	veq.s32 v9, v6;
	vm1 =	vmor vm2, vm1;
	vm2 =	vlt.s32 v10, v12  }
0xf1: {  	vm3 =	veq.s32 v9, v5;
	vm0 =	vmor vm1, vm0;
	v10 =	vsel vm2, v10, v12  }
0xf2: {  	vm0 =	vmor vm0, vm3  }
0xf3: {  	s10 =	sadd.s32 $0x10, s10;
	v12 =	vsel vm0, $0xFF800000, v13  }
0xf4: {  	vm0 =	veq.f32 v12, v11  }
0xf5: {  	v9 =	vnsel vm0, $0x800, v9  }
0xf6: {  	vm0 =	vlt.s32 v10, v9  }
0xf7: {  	v9 =	vsel vm0, v10, v9  }
0xf8: {  	v10 =	vperm.xlane v9, v0;
	_ =	sdelay $0x1  }
0xf9: {  	vm0 =	vlt.s32 v9, v10  }
0xfa: {  	v9 =	vsel vm0, v9, v10  }
0xfb: {  	v10 =	vperm.xlane v9, v1;
	_ =	sdelay $0x1  }
0xfc: {  	vm0 =	vlt.s32 v9, v10  }
0xfd: {  	v9 =	vsel vm0, v9, v10  }
0xfe: {  	v10 =	vperm.xlane v9, v2;
	_ =	sdelay $0x1  }
0xff: {  	vm0 =	vlt.s32 v9, v10  }
0x100: {  	v9 =	vsel vm0, v9, v10  }
0x101: {  	v10 =	vperm.xlane v9, v3;
	_ =	sdelay $0x1  }
0x102: {  	s9 =	simm.s32 $0x0;
	s10 =	simm.s32 $0x2000;
	vm0 =	vlt.s32 v9, v10  }
0x103: {  	v11 =	vld [tilespmem:s10+$0x0];
	v63 =	vor.u32 s9, v4;
	v9 =	vsel vm0, v9, v10  }
0x104: {  	vm0 =	veq.s32 v63, v8;
	vm1 =	veq.s32 v63, v9  }
0x105: {  	vm2 =	veq.s32 v63, v7;
	vm0 =	vmor vm1, vm0  }
0x106: {  	vm1 =	veq.s32 v63, v6;
	vm0 =	vmor vm0, vm2  }
0x107: {  	v10 =	vimm.f32 $-Inf;
	vm2 =	veq.s32 v63, v5;
	vm0 =	vmor vm0, vm1  }
0x108: {  	s9 =	simm.s32 $0x10;
	s10 =	simm.s32 $0x2010;
	v11 =	vmax.f32 v10, v11;
	vm0 =	vmor vm0, vm2  }
.LBB2_25:
0x109: {  	v12 =	vld [tilespmem:s10+$0x0];
	v13 =	vor.u32 s9, v4;
	p0 =	sne.s32 s9, $0x7F0;
	s9 =	sadd.s32 $0x10, s9;
	v10 =	vsel vm0, v10, v11  }
.Ltmp12:
0x10a: {  	vm0 =	veq.s32 v13, v8;
	vm1 =	veq.s32 v13, v9;
	(pc) =	sbr.rel @p0 .LBB2_25-.Ltmp12, $4  }
0x10b: {  	vm2 =	veq.s32 v13, v7;
	vm0 =	vmor vm1, vm0  }
0x10c: {  	vm1 =	veq.s32 v13, v6;
	vm0 =	vmor vm0, vm2  }
0x10d: {  	vm2 =	veq.s32 v13, v5;
	vm0 =	vmor vm0, vm1  }
0x10e: {  	s10 =	sadd.s32 $0x10, s10;
	vm0 =	vmor vm0, vm2;
	v11 =	vmax.f32 v10, v12  }
0x10f: {  	v10 =	vsel vm0, v10, v11  }
0x110: {  	v11 =	vperm.xlane v10, v0;
	_ =	sdelay $0x1  }
0x111: {  	v10 =	vmax.f32 v10, v11  }
0x112: {  	v11 =	vperm.xlane v10, v1;
	_ =	sdelay $0x1  }
0x113: {  	s9 =	simm.s32 $0x0;
	v11 =	vmax.f32 v10, v11  }
0x114: {  	v10 =	vor.u32 s9, v4;
	s9 =	simm.s32 $0x2000;
	v12 =	vperm.xlane v11, v2  }
0x115: {  	vm0 =	veq.s32 v10, v8;
	vm1 =	veq.s32 v10, v9;
	v13 =	vld [tilespmem:s9+$0x0]  }
0x116: {  	vm2 =	veq.s32 v10, v7;
	vm0 =	vmor vm1, vm0;
	v11 =	vmax.f32 v11, v12  }
0x117: {  	vm1 =	veq.s32 v10, v6;
	vm0 =	vmor vm0, vm2;
	v12 =	vperm.xlane v11, v3  }
0x118: {  	vm2 =	veq.s32 v10, v5;
	vm0 =	vmor vm0, vm1  }
0x119: {  	s10 =	simm.s32 $0x10;
	vm0 =	vmor vm0, vm2;
	v12 =	vmax.f32 v11, v12;
	v11 =	vimm.s32 $0x800  }
.LBB2_27:
0x11a: {  	v14 =	vor.u32 s10, v4;
	p0 =	sne.s32 s10, $0x7F0;
	s10 =	sadd.s32 $0x10, s10;
	v15 =	vsel vm0, $0xFF800000, v13;
	s9 =	sadd.s32 $0x10, s9  }
.Ltmp13:
0x11b: {  	v13 =	vld [tilespmem:s9+$0x0];
	vm0 =	veq.s32 v14, v8;
	vm1 =	veq.s32 v14, v9;
	vm2 =	veq.f32 v15, v12;
	(pc) =	sbr.rel @p0 .LBB2_27-.Ltmp13, $4  }
0x11c: {  	vm3 =	veq.s32 v14, v7;
	vm0 =	vmor vm1, vm0;
	v15 =	vnsel vm2, $0x800, v10;
	v10 =	vmovc v14  }
0x11d: {  	vm1 =	veq.s32 v10, v6;
	vm0 =	vmor vm0, vm3;
	vm2 =	vlt.s32 v11, v15  }
0x11e: {  	vm3 =	veq.s32 v10, v5;
	vm0 =	vmor vm0, vm1;
	v11 =	vsel vm2, v11, v15  }
0x11f: {  	vm0 =	vmor vm0, vm3  }
0x120: {  	v13 =	vsel vm0, $0xFF800000, v13  }
0x121: {  	vm0 =	veq.f32 v13, v12  }
0x122: {  	v10 =	vnsel vm0, $0x800, v10  }
0x123: {  	vm0 =	vlt.s32 v11, v10  }
0x124: {  	v10 =	vsel vm0, v11, v10  }
0x125: {  	v11 =	vperm.xlane v10, v0;
	_ =	sdelay $0x1  }
0x126: {  	vm0 =	vlt.s32 v10, v11  }
0x127: {  	v10 =	vsel vm0, v10, v11  }
0x128: {  	v11 =	vperm.xlane v10, v1;
	_ =	sdelay $0x1  }
0x129: {  	vm0 =	vlt.s32 v10, v11  }
0x12a: {  	v10 =	vsel vm0, v10, v11  }
0x12b: {  	v11 =	vperm.xlane v10, v2;
	_ =	sdelay $0x1  }
0x12c: {  	vm0 =	vlt.s32 v10, v11  }
0x12d: {  	v10 =	vsel vm0, v10, v11  }
0x12e: {  	v11 =	vperm.xlane v10, v3;
	_ =	sdelay $0x1  }
0x12f: {  	s9 =	simm.s32 $0x0;
	vm0 =	vlt.s32 v10, v11  }
0x130: {  	v13 =	vor.u32 s9, v4;
	s9 =	simm.s32 $0x2000;
	v10 =	vsel vm0, v10, v11  }
0x131: {  	v12 =	vld [tilespmem:s9+$0x0];
	vm0 =	veq.s32 v13, v9;
	vm1 =	veq.s32 v13, v10  }
0x132: {  	vm2 =	veq.s32 v13, v8;
	vm0 =	vmor vm1, vm0  }
0x133: {  	vm1 =	veq.s32 v13, v7;
	vm0 =	vmor vm0, vm2  }
0x134: {  	vm2 =	veq.s32 v13, v6;
	vm1 =	vmor vm0, vm1  }
0x135: {  	s10 =	simm.s32 $0x10;
	v11 =	vimm.f32 $-Inf;
	vm0 =	veq.s32 v13, v5;
	vm1 =	vmor vm1, vm2  }
.LBB2_29:
0x136: {  	v13 =	vor.u32 s10, v4;
	p0 =	sne.s32 s10, $0x7F0;
	s10 =	sadd.s32 $0x10, s10;
	vm0 =	vmor vm1, vm0;
	v14 =	vmax.f32 v11, v12;
	s9 =	sadd.s32 $0x10, s9  }
.Ltmp14:
0x137: {  	v12 =	vld [tilespmem:s9+$0x0];
	vm1 =	veq.s32 v13, v9;
	vm2 =	veq.s32 v13, v10;
	v11 =	vsel vm0, v11, v14;
	(pc) =	sbr.rel @p0 .LBB2_29-.Ltmp14, $4  }
0x138: {  	vm0 =	veq.s32 v13, v8;
	vm1 =	vmor vm2, vm1  }
0x139: {  	vm2 =	veq.s32 v13, v7;
	vm0 =	vmor vm1, vm0  }
0x13a: {  	vm1 =	veq.s32 v13, v6;
	vm2 =	vmor vm0, vm2  }
0x13b: {  	vm0 =	veq.s32 v13, v5;
	vm1 =	vmor vm2, vm1  }
0x13c: {  	vm0 =	vmor vm1, vm0;
	v12 =	vmax.f32 v11, v12  }
0x13d: {  	v11 =	vsel vm0, v11, v12  }
0x13e: {  	v12 =	vperm.xlane v11, v0;
	_ =	sdelay $0x1  }
0x13f: {  	v11 =	vmax.f32 v11, v12  }
0x140: {  	v12 =	vperm.xlane v11, v1;
	_ =	sdelay $0x1  }
0x141: {  	s9 =	simm.s32 $0x0;
	v12 =	vmax.f32 v11, v12  }
0x142: {  	v11 =	vor.u32 s9, v4;
	v13 =	vperm.xlane v12, v2  }
0x143: {  	s9 =	simm.s32 $0x2000;
	vm0 =	veq.s32 v11, v9;
	vm1 =	veq.s32 v11, v10  }
0x144: {  	vm2 =	veq.s32 v11, v8;
	v14 =	vld [tilespmem:s9+$0x0];
	vm0 =	vmor vm1, vm0;
	v12 =	vmax.f32 v12, v13  }
0x145: {  	vm1 =	veq.s32 v11, v7;
	vm0 =	vmor vm0, vm2;
	v13 =	vperm.xlane v12, v3  }
0x146: {  	vm2 =	veq.s32 v11, v6;
	vm1 =	vmor vm0, vm1;
	vm0 =	veq.s32 v11, v5  }
0x147: {  	s10 =	simm.s32 $0x10;
	vm1 =	vmor vm1, vm2;
	v12 =	vmax.f32 v12, v13;
	v13 =	vimm.s32 $0x800  }
.LBB2_31:
0x148: {  	v15 =	vor.u32 s10, v4;
	p0 =	sne.s32 s10, $0x7F0;
	s10 =	sadd.s32 $0x10, s10;
	vm0 =	vmor vm1, vm0  }
.Ltmp15:
0x149: {  	s9 =	sadd.s32 $0x10, s9;
	vm1 =	veq.s32 v15, v9;
	vm2 =	veq.s32 v15, v10;
	v16 =	vsel vm0, $0xFF800000, v14;
	(pc) =	sbr.rel @p0 .LBB2_31-.Ltmp15, $4  }
0x14a: {  	vm0 =	veq.s32 v15, v8;
	v14 =	vld [tilespmem:s9+$0x0];
	vm1 =	vmor vm2, vm1;
	vm2 =	veq.f32 v16, v12  }
0x14b: {  	vm3 =	veq.s32 v15, v7;
	vm0 =	vmor vm1, vm0;
	v16 =	vnsel vm2, $0x800, v11;
	v11 =	vmovc v15  }
0x14c: {  	vm1 =	veq.s32 v11, v6;
	vm2 =	vmor vm0, vm3;
	vm3 =	vlt.s32 v13, v16  }
0x14d: {  	vm0 =	veq.s32 v11, v5;
	vm1 =	vmor vm2, vm1;
	v13 =	vsel vm3, v13, v16  }
0x14e: {  	vm0 =	vmor vm1, vm0  }
0x14f: {  	v14 =	vsel vm0, $0xFF800000, v14  }
0x150: {  	vm0 =	veq.f32 v14, v12  }
0x151: {  	v11 =	vnsel vm0, $0x800, v11  }
0x152: {  	vm0 =	vlt.s32 v13, v11  }
0x153: {  	v11 =	vsel vm0, v13, v11  }
0x154: {  	v12 =	vperm.xlane v11, v0;
	_ =	sdelay $0x1  }
0x155: {  	vm0 =	vlt.s32 v11, v12  }
0x156: {  	v11 =	vsel vm0, v11, v12  }
0x157: {  	v12 =	vperm.xlane v11, v1;
	_ =	sdelay $0x1  }
0x158: {  	vm0 =	vlt.s32 v11, v12  }
0x159: {  	v11 =	vsel vm0, v11, v12  }
0x15a: {  	v12 =	vperm.xlane v11, v2;
	_ =	sdelay $0x1  }
0x15b: {  	vm0 =	vlt.s32 v11, v12  }
0x15c: {  	v11 =	vsel vm0, v11, v12;
	v12 =	vcvt.s32.f32 v5  }
0x15d: {  	v14 =	vcvt.s32.f32 v6  }
0x15e: {  	v15 =	vcvt.s32.f32 v7;
	v13 =	vperm.xlane v11, v3;
	v12 =	vadd.f32 $1.000000000e+00, v12  }
0x15f: {  	v16 =	vcvt.s32.f32 v8;
	v14 =	vadd.f32 $1.000000000e+00, v14  }
0x160: {  	vm0 =	vlt.s32 v11, v13;
	(erf) = vrcp.f32 v12;
	v12 =	vadd.f32 $1.000000000e+00, v15  }
0x161: {  	v15 =	vcvt.s32.f32 v9;
	(erf) = vrcp.f32 v14;
	v14 =	vadd.f32 $1.000000000e+00, v16  }
0x162: {  	v11 =	vsel vm0, v11, v13;
	v16 =	vcvt.s32.f32 v10;
	(erf) = vrcp.f32 v12  }
0x163: {  	v12 =	vadd.f32 $1.000000000e+00, v15;
	(erf) = vrcp.f32 v14;
	v14 =	vcvt.s32.f32 v11  }
0x164: {  	v13 =	vadd.f32 $1.000000000e+00, v16  }
0x165: {  	(erf) = vrcp.f32 v12;
	v12 =	vadd.f32 $1.000000000e+00, v14  }
0x166: {  	(erf) = vrcp.f32 v13  }
0x167: {  	s9 =	simm.s32 $0x0  }
0x168: {  	v19 =	vor.u32 s9, v4;
	(erf) = vrcp.f32 v12  }
0x169: {  	vm0 =	veq.s32 v19, v5;
	v12 =	vpop (erf)  }
0x16a: {  	v13 =	vpop (erf);
	v15 =	vnsel vm0, $0x3F800000, v12;
	vm0 =	veq.s32 v19, v6  }
0x16b: {  	v16 =	vsel vm0, v13, v15  }
0x16c: {  	v14 =	vpop (erf);
	vm0 =	veq.s32 v19, v7  }
0x16d: {  	s31 =	simm.s32 $0x10;
	v17 =	vsel vm0, v14, v16;
	vm0 =	veq.s32 v19, v8;
	v15 =	vpop (erf)  }
0x16e: {  	v16 =	vpop (erf);
	v20 =	vsel vm0, v15, v17;
	vm0 =	veq.s32 v19, v9;
	v17 =	vor.u32 s31, v4  }
0x16f: {  	v18 =	vpop (erf);
	v20 =	vsel vm0, v16, v20;
	vm0 =	veq.s32 v19, v10;
	vm1 =	veq.s32 v17, v5  }
0x170: {  	v20 =	vsel vm0, v18, v20;
	v21 =	vnsel vm1, $0x3F800000, v12;
	vm0 =	veq.s32 v17, v6  }
0x171: {  	vm1 =	veq.s32 v19, v11;
	v19 =	vpop (erf);
	v21 =	vsel vm0, v13, v21;
	vm0 =	veq.s32 v17, v7  }
0x172: {  	s9 =	simm.s32 $0x2800;
	v20 =	vsel vm1, v19, v20;
	v21 =	vsel vm0, v14, v21;
	vm0 =	veq.s32 v17, v8  }
0x173: {  	s10 =	simm.s32 $0x20;
	[tilespmem:s9+$0x0] =	vst v20;
	v20 =	vsel vm0, v15, v21;
	vm0 =	veq.s32 v17, v9  }
.LBB2_33:
0x174: {  	v21 =	vor.u32 s10, v4;
	p0 =	sne.s32 s10, $0x7F0;
	s10 =	sadd.s32 $0x10, s10;
	v20 =	vsel vm0, v16, v20;
	vm0 =	veq.s32 v17, v10  }
.Ltmp16:
0x175: {  	vm1 =	veq.s32 v21, v5;
	v20 =	vsel vm0, v18, v20;
	vm0 =	veq.s32 v17, v11;
	v17 =	vmovc v21;
	(pc) =	sbr.rel @p0 .LBB2_33-.Ltmp16, $4  }
0x176: {  	s9 =	sadd.s32 $0x10, s9;
	v21 =	vnsel vm1, $0x3F800000, v12;
	vm1 =	veq.s32 v17, v6;
	v20 =	vsel vm0, v19, v20  }
0x177: {  	vm0 =	veq.s32 v17, v7;
	v21 =	vsel vm1, v13, v21;
	[tilespmem:s9+$0x0] =	vst v20  }
0x178: {  	v20 =	vsel vm0, v14, v21;
	vm0 =	veq.s32 v17, v8  }
0x179: {  	v20 =	vsel vm0, v15, v20;
	vm0 =	veq.s32 v17, v9  }
0x17a: {  	v5 =	vsel vm0, v16, v20;
	vm14 =	veq.s32 v17, v10  }
0x17b: {  	vm15 =	veq.s32 v17, v11;
	s8 =	sadd.s32 $0x1, s8;
	v5 =	vsel vm14, v18, v5  }
0x17c: {  	s9 =	sadd.s32 $0x10, s9;
	p0 =	sne.s32 s8, s4;
	v5 =	vsel vm15, v19, v5  }
.Ltmp17:
0x17d: {  	[tilespmem:s9+$0x0] =	vst v5;
	(pc) =	sbr.rel @p0 .LBB2_2-.Ltmp17, $4  }
0x17e: {  	[hbm4b:s3+s5] =	stream.linear.scatter [tilespmem:s7], [sflag:$0x1], $0x800, $0x38;
	[tilespmem:$0x3000] =	vst v63  }
0x17f: {  	_ =	swait.ge [sflag:s6], $0x800  }
0x180: {  	[sflag:s6] =	ssyncset.done $0x0  }
0x181: {  	[sflag:s6] =	ssyncadd.s32 $0xFFFFF800  }
.LBB2_35:
0x182: {  	_ =	sfence.sel $0x180000  }
0x183: {  	[bflag:$0x0] =	sbarrier.arrive $0xFFFF  }
0x184: {  	p0 =	sne.s32 s0, $0x0;
	_ =	strace $0x90000047  }
0x185: {  	s0 =	sadd.s32 @!p0 $0x100000, s1;
	[bflag:$0x2] =	sbarrier.arrive $0xFFFF  }
0x186: {  	[sflag:s0] =	ssyncadd.tile.s32 @!p0 $0x1;
	_ =	shalt  }
.Lfunc_end2:
_tile_overlayer_lowered:
.L_overlay_start_2:
0x187: {  	(tag) =	ssettag $0x2  }
0x188: {  	s0 =	rddreg [dreg:$0x0];
	s2 =	stileid.u32  }
0x189: {  	s1 =	rddreg [dreg:$0x1];
	p0 =	sne.s32 s2, $0x0  }
0x18a: {  	s3 =	rddreg [dreg:$0x2];
	[bflag:$0x3] =	sbarrier.arrive $0xFFFF;
	s2 =	simm.s32 @!p0 $0x1C01  }
0x18b: {  	[timem:s3], [sflag:s2] =	dma.local @!p0 [hbm:s0], s1  }
0x18c: {  	s0 =	simm.s32 @!p0 $0x1  }
0x18d: {  	_ =	swait.ge @!p0 [sflag:s0], s1  }
0x18e: {  	s1 =	ssub.s32 @!p0 $0x0, s1;
	[sflag:s0] =	ssyncset.done @!p0 $0x0  }
0x18f: {  	[sflag:s0] =	ssyncadd.s32 @!p0 s1  }
0x190: {  	[bflag:$0x3] =	sbarrier.arrive $0xFFFF  }
0x191: {  	_ =	shalt  }

</sc_bundles>
